<compile_context>
chip_gen: v7x
topology: tpu7x:2x2x1
jax: 0.10.2.dev20260603
libtpu: 0.0.44.dev20260713+nightly
codegen_flags: <defaults>
</compile_context>

<pallas_src>
import functools

import jax
import jax.numpy as jnp
import numpy as np
from jax.experimental import pallas as pl
from jax.experimental.pallas import tpu as pltpu

_N, _A, _H, _W = 2, 3, 64, 64
_IMG_H, _IMG_W = 1024.0, 1024.0
_PRE_NMS = 2000
_POST_NMS = 1000
_NMS_THRESH = 0.7
_CLIP = float(np.log(1000.0 / 16.0))
_NPAD = 2048
_CHUNK = 256
_NCHUNKS = _NPAD // _CHUNK
_POST_PAD = 1024


def _decode_clip(dx, dy, dw, dh, ax1, ay1, ax2, ay2):
    widths = ax2 - ax1 + 1.0
    heights = ay2 - ay1 + 1.0
    ctr_x = ax1 + 0.5 * widths
    ctr_y = ay1 + 0.5 * heights
    dw = jnp.minimum(dw, _CLIP)
    dh = jnp.minimum(dh, _CLIP)
    pred_ctr_x = dx * widths + ctr_x
    pred_ctr_y = dy * heights + ctr_y
    pred_w = jnp.exp(dw) * widths
    pred_h = jnp.exp(dh) * heights
    x1 = pred_ctr_x - 0.5 * pred_w
    y1 = pred_ctr_y - 0.5 * pred_h
    x2 = pred_ctr_x + 0.5 * pred_w - 1.0
    y2 = pred_ctr_y + 0.5 * pred_h - 1.0
    x1 = jnp.clip(x1, 0.0, _IMG_W - 1.0)
    y1 = jnp.clip(y1, 0.0, _IMG_H - 1.0)
    x2 = jnp.clip(x2, 0.0, _IMG_W - 1.0)
    y2 = jnp.clip(y2, 0.0, _IMG_H - 1.0)
    return x1, y1, x2, y2


def _nms_body(breg_r_ref, anch_r_ref, breg_c_ref, anch_c_ref, scores_ref,
              out_ref, iou_scr):
    br = breg_r_ref[0]
    ar = anch_r_ref[0]
    bc = breg_c_ref[0]
    ac = anch_c_ref[0]

    x1r, y1r, x2r, y2r = _decode_clip(
        br[0:1, :], br[1:2, :], br[2:3, :], br[3:4, :],
        ar[0:1, :], ar[1:2, :], ar[2:3, :], ar[3:4, :])
    x1c, y1c, x2c, y2c = _decode_clip(
        bc[:, 0:1], bc[:, 1:2], bc[:, 2:3], bc[:, 3:4],
        ac[:, 0:1], ac[:, 1:2], ac[:, 2:3], ac[:, 3:4])

    area_r = (x2r - x1r + 1.0) * (y2r - y1r + 1.0)
    area_c = (x2c - x1c + 1.0) * (y2c - y1c + 1.0)

    iota = jax.lax.broadcasted_iota(jnp.int32, (1, _NPAD), 1)
    ws = x2r - x1r + 1.0
    hs = y2r - y1r + 1.0
    valid = (ws >= 0.0) & (hs >= 0.0) & (iota < _PRE_NMS)
    keep = valid.astype(jnp.float32)

    iota256 = jax.lax.broadcasted_iota(jnp.int32, (1, _CHUNK), 1)

    for c in range(_NCHUNKS):
        s, e = c * _CHUNK, (c + 1) * _CHUNK
        ltx = jnp.maximum(x1c[s:e, :], x1r)
        lty = jnp.maximum(y1c[s:e, :], y1r)
        rbx = jnp.minimum(x2c[s:e, :], x2r)
        rby = jnp.minimum(y2c[s:e, :], y2r)
        w = jnp.maximum(rbx - ltx + 1.0, 0.0)
        h = jnp.maximum(rby - lty + 1.0, 0.0)
        inter = w * h
        iou = inter / (area_c[s:e, :] + area_r - inter)
        sup = (iou > _NMS_THRESH).astype(jnp.float32)

        iou_scr[...] = sup[:, s:e]
        k0 = keep[:, s:e]

        def body(i, k):
            ki = jnp.sum(k * (iota256 == i).astype(jnp.float32))
            row = iou_scr[pl.ds(i, 1), :]
            after = (iota256 > i).astype(jnp.float32)
            return k * (1.0 - ki * row * after)

        k_fin = jax.lax.fori_loop(0, _CHUNK, body, k0)

        cnt = jnp.dot(k_fin, sup, preferred_element_type=jnp.float32)
        later = ((cnt > 0.5) & (iota >= e)).astype(jnp.float32)
        keep = keep * (1.0 - later)
        parts = []
        if s > 0:
            parts.append(keep[:, :s])
        parts.append(k_fin)
        if e < _NPAD:
            parts.append(keep[:, e:])
        keep = jnp.concatenate(parts, axis=1) if len(parts) > 1 else k_fin

    score_row = scores_ref[0]
    real_f = (iota < _PRE_NMS).astype(jnp.float32)
    s_row = (1.0 - keep) * real_f
    tri = (jax.lax.broadcasted_iota(jnp.int32, (_CHUNK, _CHUNK), 0)
           <= jax.lax.broadcasted_iota(jnp.int32, (_CHUNK, _CHUNK), 1)
           ).astype(jnp.float32)
    kpre = jnp.float32(0.0)
    spre = jnp.float32(0.0)
    kparts, sparts = [], []
    for c in range(_NCHUNKS):
        s0, e0 = c * _CHUNK, (c + 1) * _CHUNK
        kc = keep[:, s0:e0]
        sc = s_row[:, s0:e0]
        kparts.append(kpre + jnp.dot(kc, tri, preferred_element_type=jnp.float32))
        sparts.append(spre + jnp.dot(sc, tri, preferred_element_type=jnp.float32))
        kpre = kpre + jnp.sum(kc)
        spre = spre + jnp.sum(sc)
    rank = jnp.concatenate(kparts, axis=1)
    srank = jnp.concatenate(sparts, axis=1)
    num_keep = kpre
    dest = keep * (rank - 1.0) + (1.0 - keep) * (num_keep + srank - 1.0)
    dest_i = dest.astype(jnp.int32)
    masked = keep * score_row + (1.0 - keep) * (-1e10)

    comps = (x1r, y1r, x2r, y2r, masked)
    for pc in range(_POST_PAD // _CHUNK):
        p0 = pc * _CHUNK
        pio = p0 + jax.lax.broadcasted_iota(jnp.int32, (_CHUNK, _NPAD), 0)
        match = dest_i == pio
        for ci, comp in enumerate(comps):
            sel = jnp.where(match, comp, -3.4e38)
            val = jnp.max(sel, axis=1, keepdims=True)
            out_ref[0, p0:p0 + _CHUNK, ci:ci + 1] = val


@jax.jit
def kernel(objectness, box_regression, anchors):
    n = objectness.shape[0]
    obj = objectness.transpose(0, 2, 3, 1).reshape(n, -1)
    obj = jax.nn.sigmoid(obj)
    scores, topk_idx = jax.lax.top_k(obj, _PRE_NMS)
    breg = box_regression.reshape(n, _A, 4, _H, _W)
    breg = breg.transpose(0, 3, 4, 1, 2).reshape(n, -1, 4)
    breg = jnp.take_along_axis(breg, topk_idx[:, :, None], axis=1)
    anch = jnp.take_along_axis(anchors, topk_idx[:, :, None], axis=1)

    pad = _NPAD - _PRE_NMS
    breg_c = jnp.pad(breg, ((0, 0), (0, pad), (0, 0)))
    anch_c = jnp.pad(anch, ((0, 0), (0, pad), (0, 0)))
    breg_r = breg_c.transpose(0, 2, 1)
    anch_r = anch_c.transpose(0, 2, 1)
    scores_p = jnp.pad(scores, ((0, 0), (0, pad)))[:, None, :]

    out = pl.pallas_call(
        _nms_body,
        grid=(n,),
        in_specs=[
            pl.BlockSpec((1, 4, _NPAD), lambda i: (i, 0, 0)),
            pl.BlockSpec((1, 4, _NPAD), lambda i: (i, 0, 0)),
            pl.BlockSpec((1, _NPAD, 4), lambda i: (i, 0, 0)),
            pl.BlockSpec((1, _NPAD, 4), lambda i: (i, 0, 0)),
            pl.BlockSpec((1, 1, _NPAD), lambda i: (i, 0, 0)),
        ],
        out_specs=pl.BlockSpec((1, _POST_PAD, 8), lambda i: (i, 0, 0)),
        out_shape=jax.ShapeDtypeStruct((n, _POST_PAD, 8), jnp.float32),
        scratch_shapes=[pltpu.VMEM((_CHUNK, _CHUNK), jnp.float32)],
    )(breg_r, anch_r, breg_c, anch_c, scores_p)

    return out[:, :_POST_NMS, :5]

# --- scband reference (transcript-rebuilt; emitter-appended) ---
"""Pipeline reference for scband-rpnpost-processor-13314398618287 (READ-ONLY COPY).

The authoritative reference and input builder live on the scoring server;
editing this copy changes nothing except your own understanding.
"""

import jax, jax.numpy as jnp
import numpy as np

N, A, H, W = 2, 3, 64, 64
IMG_H, IMG_W = 1024.0, 1024.0
PRE_NMS_TOP_N = 2000
POST_NMS_TOP_N = 1000
NMS_THRESH = 0.7
MIN_SIZE = 0.0
BBOX_XFORM_CLIP = float(np.log(1000.0 / 16.0))


def _make_anchors():
    stride = 16.0
    scales = np.array([128.0, 256.0, 512.0], dtype=np.float32)
    shift_x = (np.arange(W, dtype=np.float32) + 0.5) * stride
    shift_y = (np.arange(H, dtype=np.float32) + 0.5) * stride
    cy, cx = np.meshgrid(shift_y, shift_x, indexing='ij')
    cx = cx[:, :, None]
    cy = cy[:, :, None]
    half = (scales / 2.0)[None, None, :]
    x1 = cx - half
    y1 = cy - half
    x2 = cx + half
    y2 = cy + half
    anch = np.stack([x1, y1, x2, y2], axis=-1).reshape(H * W * A, 4)
    return np.broadcast_to(anch[None], (N, H * W * A, 4)).copy()


def setup_inputs(seed: int = 0):
    key = jax.random.key(seed)
    k1, k2 = jax.random.split(key)
    objectness = jax.random.normal(k1, (N, A, H, W), dtype=jnp.float32)
    box_regression = jax.random.normal(k2, (N, A * 4, H, W), dtype=jnp.float32) * 0.5
    anchors = jnp.asarray(_make_anchors())
    return {"objectness": objectness, "box_regression": box_regression, "anchors": anchors}


def _decode(deltas, anchors):
    TO_REMOVE = 1.0
    widths = anchors[:, 2] - anchors[:, 0] + TO_REMOVE
    heights = anchors[:, 3] - anchors[:, 1] + TO_REMOVE
    ctr_x = anchors[:, 0] + 0.5 * widths
    ctr_y = anchors[:, 1] + 0.5 * heights
    dx = deltas[:, 0]
    dy = deltas[:, 1]
    dw = jnp.minimum(deltas[:, 2], BBOX_XFORM_CLIP)
    dh = jnp.minimum(deltas[:, 3], BBOX_XFORM_CLIP)
    pred_ctr_x = dx * widths + ctr_x
    pred_ctr_y = dy * heights + ctr_y
    pred_w = jnp.exp(dw) * widths
    pred_h = jnp.exp(dh) * heights
    x1 = pred_ctr_x - 0.5 * pred_w
    y1 = pred_ctr_y - 0.5 * pred_h
    x2 = pred_ctr_x + 0.5 * pred_w - 1.0
    y2 = pred_ctr_y + 0.5 * pred_h - 1.0
    return jnp.stack([x1, y1, x2, y2], axis=-1)


def _iou_matrix(boxes):
    TO_REMOVE = 1.0
    area = (boxes[:, 2] - boxes[:, 0] + TO_REMOVE) * (boxes[:, 3] - boxes[:, 1] + TO_REMOVE)
    lt = jnp.maximum(boxes[:, None, :2], boxes[None, :, :2])
    rb = jnp.minimum(boxes[:, None, 2:], boxes[None, :, 2:])
    wh = jnp.maximum(rb - lt + TO_REMOVE, 0.0)
    inter = wh[..., 0] * wh[..., 1]
    return inter / (area[:, None] + area[None, :] - inter)


def _nms_keep(boxes, valid):
    # boxes are assumed sorted by descending score (true: they come from top_k)
    n = boxes.shape[0]
    iou = _iou_matrix(boxes)
    idx = jnp.arange(n)

    def body(keep, i):
        suppress = (iou[i] > NMS_THRESH) & keep[i] & (idx > i)
        return keep & (~suppress), None

    keep, _ = jax.lax.scan(body, valid, jnp.arange(n))
    return keep


def reference(objectness, box_regression, anchors):
    # objectness: [N, A, H, W] -> [N, H*W*A], sigmoid
    obj = objectness.transpose(0, 2, 3, 1).reshape(N, -1)
    obj = jax.nn.sigmoid(obj)
    pre_nms_top_n = min(PRE_NMS_TOP_N, A * H * W)
    scores, topk_idx = jax.lax.top_k(obj, pre_nms_top_n)
    # box_regression: [N, A*4, H, W] -> [N, H*W*A, 4]
    breg = box_regression.reshape(N, A, 4, H, W).transpose(0, 3, 4, 1, 2).reshape(N, -1, 4)
    breg = jnp.take_along_axis(breg, topk_idx[:, :, None], axis=1)
    anch = jnp.take_along_axis(anchors, topk_idx[:, :, None], axis=1)
    proposals = _decode(breg.reshape(-1, 4), anch.reshape(-1, 4)).reshape(N, -1, 4)
    # clip_to_image (remove_empty=False)
    x1 = jnp.clip(proposals[..., 0], 0.0, IMG_W - 1.0)
    y1 = jnp.clip(proposals[..., 1], 0.0, IMG_H - 1.0)
    x2 = jnp.clip(proposals[..., 2], 0.0, IMG_W - 1.0)
    y2 = jnp.clip(proposals[..., 3], 0.0, IMG_H - 1.0)
    proposals = jnp.stack([x1, y1, x2, y2], axis=-1)
    # remove_small_boxes (as a validity mask; fixed shapes in jax)
    ws = proposals[..., 2] - proposals[..., 0] + 1.0
    hs = proposals[..., 3] - proposals[..., 1] + 1.0
    valid = (ws >= MIN_SIZE) & (hs >= MIN_SIZE)

    def per_image(boxes, sc, val):
        keep = _nms_keep(jax.lax.stop_gradient(boxes), val)
        masked = jnp.where(keep, sc, -1e10)
        topv, topi = jax.lax.top_k(masked, POST_NMS_TOP_N)
        out_boxes = boxes[topi]
        return jnp.concatenate([out_boxes, topv[:, None]], axis=-1)

    out = jax.vmap(per_image)(proposals, scores, valid)
    return out

if __name__ == "__main__":
    import jax
    _d = setup_inputs()
    print(jax.jit(kernel)(*tuple(_d.values())))

</pallas_src>

<mosaic_0001>
module attributes {stable_mosaic.version = 14 : i64} {
  func.func @_nms_body(%arg0: i32, %arg1: memref<1x4x2048xf32, #tpu.memory_space<vmem>>, %arg2: memref<1x4x2048xf32, #tpu.memory_space<vmem>>, %arg3: memref<1x2048x4xf32, #tpu.memory_space<vmem>>, %arg4: memref<1x2048x4xf32, #tpu.memory_space<vmem>>, %arg5: memref<1x1x2048xf32, #tpu.memory_space<vmem>>, %arg6: memref<1x1024x8xf32, #tpu.memory_space<vmem>>, %arg7: memref<256x256xf32, #tpu.memory_space<vmem>>) attributes {dimension_semantics = [#tpu.dimension_semantics<arbitrary>], iteration_bounds = array<i64: 2>, scalar_prefetch = 0 : i64, scratch_operands = 1 : i64, tpu.core_type = #tpu.core_type<tc>, window_params = [{transform_indices = @transform_0, window_bounds = array<i64: 1, 4, 2048>}, {transform_indices = @transform_1, window_bounds = array<i64: 1, 4, 2048>}, {transform_indices = @transform_2, window_bounds = array<i64: 1, 2048, 4>}, {transform_indices = @transform_3, window_bounds = array<i64: 1, 2048, 4>}, {transform_indices = @transform_4, window_bounds = array<i64: 1, 1, 2048>}, {transform_indices = @transform_5, window_bounds = array<i64: 1, 1024, 8>}]} {
    %get3A = arith.constant 0 : index
    %get3A_0 = arith.constant 0 : index
    %get3A_1 = arith.constant 0 : index
    %get3A_2 = vector.load %arg1[%get3A, %get3A_0, %get3A_1] : memref<1x4x2048xf32, #tpu.memory_space<vmem>>, vector<1x4x2048xf32>
    %get3A_3 = vector.shape_cast %get3A_2 : vector<1x4x2048xf32> to vector<4x2048xf32>
    %get3A_4 = arith.constant 0 : index
    %get3A_5 = arith.constant 0 : index
    %get3A_6 = arith.constant 0 : index
    %get3A_7 = vector.load %arg2[%get3A_4, %get3A_5, %get3A_6] : memref<1x4x2048xf32, #tpu.memory_space<vmem>>, vector<1x4x2048xf32>
    %get3A_8 = vector.shape_cast %get3A_7 : vector<1x4x2048xf32> to vector<4x2048xf32>
    %get3A_9 = arith.constant 0 : index
    %get3A_10 = arith.constant 0 : index
    %get3A_11 = arith.constant 0 : index
    %get3A_12 = vector.load %arg3[%get3A_9, %get3A_10, %get3A_11] : memref<1x2048x4xf32, #tpu.memory_space<vmem>>, vector<1x2048x4xf32>
    %get3A_13 = vector.shape_cast %get3A_12 : vector<1x2048x4xf32> to vector<2048x4xf32>
    %get3A_14 = arith.constant 0 : index
    %get3A_15 = arith.constant 0 : index
    %get3A_16 = arith.constant 0 : index
    %get3A_17 = vector.load %arg4[%get3A_14, %get3A_15, %get3A_16] : memref<1x2048x4xf32, #tpu.memory_space<vmem>>, vector<1x2048x4xf32>
    %get3A_18 = vector.shape_cast %get3A_17 : vector<1x2048x4xf32> to vector<2048x4xf32>
    %slice3A = vector.extract_strided_slice %get3A_3 {offsets = [0, 0], sizes = [1, 2048], strides = [1, 1]} : vector<4x2048xf32> to vector<1x2048xf32>
    %slice3A_19 = vector.extract_strided_slice %get3A_3 {offsets = [1, 0], sizes = [1, 2048], strides = [1, 1]} : vector<4x2048xf32> to vector<1x2048xf32>
    %slice3A_20 = vector.extract_strided_slice %get3A_3 {offsets = [2, 0], sizes = [1, 2048], strides = [1, 1]} : vector<4x2048xf32> to vector<1x2048xf32>
    %slice3A_21 = vector.extract_strided_slice %get3A_3 {offsets = [3, 0], sizes = [1, 2048], strides = [1, 1]} : vector<4x2048xf32> to vector<1x2048xf32>
    %slice3A_22 = vector.extract_strided_slice %get3A_8 {offsets = [0, 0], sizes = [1, 2048], strides = [1, 1]} : vector<4x2048xf32> to vector<1x2048xf32>
    %slice3A_23 = vector.extract_strided_slice %get3A_8 {offsets = [1, 0], sizes = [1, 2048], strides = [1, 1]} : vector<4x2048xf32> to vector<1x2048xf32>
    %slice3A_24 = vector.extract_strided_slice %get3A_8 {offsets = [2, 0], sizes = [1, 2048], strides = [1, 1]} : vector<4x2048xf32> to vector<1x2048xf32>
    %slice3A_25 = vector.extract_strided_slice %get3A_8 {offsets = [3, 0], sizes = [1, 2048], strides = [1, 1]} : vector<4x2048xf32> to vector<1x2048xf32>
    %sub3A = arith.subf %slice3A_24, %slice3A_22 : vector<1x2048xf32>
    %add3A = arith.constant 1.000000e+00 : f32
    %add3A_26 = vector.broadcast %add3A : f32 to vector<1x2048xf32>
    %add3A_27 = arith.addf %sub3A, %add3A_26 : vector<1x2048xf32>
    %sub3A_28 = arith.subf %slice3A_25, %slice3A_23 : vector<1x2048xf32>
    %add3A_29 = arith.constant 1.000000e+00 : f32
    %add3A_30 = vector.broadcast %add3A_29 : f32 to vector<1x2048xf32>
    %add3A_31 = arith.addf %sub3A_28, %add3A_30 : vector<1x2048xf32>
    %mul3A = arith.constant 5.000000e-01 : f32
    %mul3A_32 = vector.broadcast %mul3A : f32 to vector<1x2048xf32>
    %mul3A_33 = arith.mulf %mul3A_32, %add3A_27 : vector<1x2048xf32>
    %add3A_34 = arith.addf %slice3A_22, %mul3A_33 : vector<1x2048xf32>
    %mul3A_35 = arith.constant 5.000000e-01 : f32
    %mul3A_36 = vector.broadcast %mul3A_35 : f32 to vector<1x2048xf32>
    %mul3A_37 = arith.mulf %mul3A_36, %add3A_31 : vector<1x2048xf32>
    %add3A_38 = arith.addf %slice3A_23, %mul3A_37 : vector<1x2048xf32>
    %min3A = arith.constant 4.13516665 : f32
    %min3A_39 = vector.broadcast %min3A : f32 to vector<1x2048xf32>
    %min3A_40 = arith.minimumf %slice3A_20, %min3A_39 : vector<1x2048xf32>
    %min3A_41 = arith.constant 4.13516665 : f32
    %min3A_42 = vector.broadcast %min3A_41 : f32 to vector<1x2048xf32>
    %min3A_43 = arith.minimumf %slice3A_21, %min3A_42 : vector<1x2048xf32>
    %mul3A_44 = arith.mulf %slice3A, %add3A_27 : vector<1x2048xf32>
    %add3A_45 = arith.addf %mul3A_44, %add3A_34 : vector<1x2048xf32>
    %mul3A_46 = arith.mulf %slice3A_19, %add3A_31 : vector<1x2048xf32>
    %add3A_47 = arith.addf %mul3A_46, %add3A_38 : vector<1x2048xf32>
    %exp3A = math.exp %min3A_40 : vector<1x2048xf32>
    %mul3A_48 = arith.mulf %exp3A, %add3A_27 : vector<1x2048xf32>
    %exp3A_49 = math.exp %min3A_43 : vector<1x2048xf32>
    %mul3A_50 = arith.mulf %exp3A_49, %add3A_31 : vector<1x2048xf32>
    %mul3A_51 = arith.constant 5.000000e-01 : f32
    %mul3A_52 = vector.broadcast %mul3A_51 : f32 to vector<1x2048xf32>
    %mul3A_53 = arith.mulf %mul3A_52, %mul3A_48 : vector<1x2048xf32>
    %sub3A_54 = arith.subf %add3A_45, %mul3A_53 : vector<1x2048xf32>
    %mul3A_55 = arith.constant 5.000000e-01 : f32
    %mul3A_56 = vector.broadcast %mul3A_55 : f32 to vector<1x2048xf32>
    %mul3A_57 = arith.mulf %mul3A_56, %mul3A_50 : vector<1x2048xf32>
    %sub3A_58 = arith.subf %add3A_47, %mul3A_57 : vector<1x2048xf32>
    %mul3A_59 = arith.constant 5.000000e-01 : f32
    %mul3A_60 = vector.broadcast %mul3A_59 : f32 to vector<1x2048xf32>
    %mul3A_61 = arith.mulf %mul3A_60, %mul3A_48 : vector<1x2048xf32>
    %add3A_62 = arith.addf %add3A_45, %mul3A_61 : vector<1x2048xf32>
    %sub3A_63 = arith.constant 1.000000e+00 : f32
    %sub3A_64 = vector.broadcast %sub3A_63 : f32 to vector<1x2048xf32>
    %sub3A_65 = arith.subf %add3A_62, %sub3A_64 : vector<1x2048xf32>
    %mul3A_66 = arith.constant 5.000000e-01 : f32
    %mul3A_67 = vector.broadcast %mul3A_66 : f32 to vector<1x2048xf32>
    %mul3A_68 = arith.mulf %mul3A_67, %mul3A_50 : vector<1x2048xf32>
    %add3A_69 = arith.addf %add3A_47, %mul3A_68 : vector<1x2048xf32>
    %sub3A_70 = arith.constant 1.000000e+00 : f32
    %sub3A_71 = vector.broadcast %sub3A_70 : f32 to vector<1x2048xf32>
    %sub3A_72 = arith.subf %add3A_69, %sub3A_71 : vector<1x2048xf32>
    %jit3A = arith.constant 0.000000e+00 : f32
    %jit3A_73 = arith.constant 1.023000e+03 : f32
    %max3A = vector.broadcast %jit3A : f32 to vector<1x2048xf32>
    %max3A_74 = arith.maximumf %max3A, %sub3A_54 : vector<1x2048xf32>
    %min3A_75 = vector.broadcast %jit3A_73 : f32 to vector<1x2048xf32>
    %min3A_76 = arith.minimumf %min3A_75, %max3A_74 : vector<1x2048xf32>
    %jit3A_77 = arith.constant 0.000000e+00 : f32
    %jit3A_78 = arith.constant 1.023000e+03 : f32
    %max3A_79 = vector.broadcast %jit3A_77 : f32 to vector<1x2048xf32>
    %max3A_80 = arith.maximumf %max3A_79, %sub3A_58 : vector<1x2048xf32>
    %min3A_81 = vector.broadcast %jit3A_78 : f32 to vector<1x2048xf32>
    %min3A_82 = arith.minimumf %min3A_81, %max3A_80 : vector<1x2048xf32>
    %jit3A_83 = arith.constant 0.000000e+00 : f32
    %jit3A_84 = arith.constant 1.023000e+03 : f32
    %max3A_85 = vector.broadcast %jit3A_83 : f32 to vector<1x2048xf32>
    %max3A_86 = arith.maximumf %max3A_85, %sub3A_65 : vector<1x2048xf32>
    %min3A_87 = vector.broadcast %jit3A_84 : f32 to vector<1x2048xf32>
    %min3A_88 = arith.minimumf %min3A_87, %max3A_86 : vector<1x2048xf32>
    %jit3A_89 = arith.constant 0.000000e+00 : f32
    %jit3A_90 = arith.constant 1.023000e+03 : f32
    %max3A_91 = vector.broadcast %jit3A_89 : f32 to vector<1x2048xf32>
    %max3A_92 = arith.maximumf %max3A_91, %sub3A_72 : vector<1x2048xf32>
    %min3A_93 = vector.broadcast %jit3A_90 : f32 to vector<1x2048xf32>
    %min3A_94 = arith.minimumf %min3A_93, %max3A_92 : vector<1x2048xf32>
    %slice3A_95 = vector.extract_strided_slice %get3A_13 {offsets = [0, 0], sizes = [2048, 1], strides = [1, 1]} : vector<2048x4xf32> to vector<2048x1xf32>
    %slice3A_96 = vector.extract_strided_slice %get3A_13 {offsets = [0, 1], sizes = [2048, 1], strides = [1, 1]} : vector<2048x4xf32> to vector<2048x1xf32>
    %slice3A_97 = vector.extract_strided_slice %get3A_13 {offsets = [0, 2], sizes = [2048, 1], strides = [1, 1]} : vector<2048x4xf32> to vector<2048x1xf32>
    %slice3A_98 = vector.extract_strided_slice %get3A_13 {offsets = [0, 3], sizes = [2048, 1], strides = [1, 1]} : vector<2048x4xf32> to vector<2048x1xf32>
    %slice3A_99 = vector.extract_strided_slice %get3A_18 {offsets = [0, 0], sizes = [2048, 1], strides = [1, 1]} : vector<2048x4xf32> to vector<2048x1xf32>
    %slice3A_100 = vector.extract_strided_slice %get3A_18 {offsets = [0, 1], sizes = [2048, 1], strides = [1, 1]} : vector<2048x4xf32> to vector<2048x1xf32>
    %slice3A_101 = vector.extract_strided_slice %get3A_18 {offsets = [0, 2], sizes = [2048, 1], strides = [1, 1]} : vector<2048x4xf32> to vector<2048x1xf32>
    %slice3A_102 = vector.extract_strided_slice %get3A_18 {offsets = [0, 3], sizes = [2048, 1], strides = [1, 1]} : vector<2048x4xf32> to vector<2048x1xf32>
    %sub3A_103 = arith.subf %slice3A_101, %slice3A_99 : vector<2048x1xf32>
    %add3A_104 = arith.constant 1.000000e+00 : f32
    %add3A_105 = vector.broadcast %add3A_104 : f32 to vector<2048x1xf32>
    %add3A_106 = arith.addf %sub3A_103, %add3A_105 : vector<2048x1xf32>
    %sub3A_107 = arith.subf %slice3A_102, %slice3A_100 : vector<2048x1xf32>
    %add3A_108 = arith.constant 1.000000e+00 : f32
    %add3A_109 = vector.broadcast %add3A_108 : f32 to vector<2048x1xf32>
    %add3A_110 = arith.addf %sub3A_107, %add3A_109 : vector<2048x1xf32>
    %mul3A_111 = arith.constant 5.000000e-01 : f32
    %mul3A_112 = vector.broadcast %mul3A_111 : f32 to vector<2048x1xf32>
    %mul3A_113 = arith.mulf %mul3A_112, %add3A_106 : vector<2048x1xf32>
    %add3A_114 = arith.addf %slice3A_99, %mul3A_113 : vector<2048x1xf32>
    %mul3A_115 = arith.constant 5.000000e-01 : f32
    %mul3A_116 = vector.broadcast %mul3A_115 : f32 to vector<2048x1xf32>
    %mul3A_117 = arith.mulf %mul3A_116, %add3A_110 : vector<2048x1xf32>
    %add3A_118 = arith.addf %slice3A_100, %mul3A_117 : vector<2048x1xf32>
    %min3A_119 = arith.constant 4.13516665 : f32
    %min3A_120 = vector.broadcast %min3A_119 : f32 to vector<2048x1xf32>
    %min3A_121 = arith.minimumf %slice3A_97, %min3A_120 : vector<2048x1xf32>
    %min3A_122 = arith.constant 4.13516665 : f32
    %min3A_123 = vector.broadcast %min3A_122 : f32 to vector<2048x1xf32>
    %min3A_124 = arith.minimumf %slice3A_98, %min3A_123 : vector<2048x1xf32>
    %mul3A_125 = arith.mulf %slice3A_95, %add3A_106 : vector<2048x1xf32>
    %add3A_126 = arith.addf %mul3A_125, %add3A_114 : vector<2048x1xf32>
    %mul3A_127 = arith.mulf %slice3A_96, %add3A_110 : vector<2048x1xf32>
    %add3A_128 = arith.addf %mul3A_127, %add3A_118 : vector<2048x1xf32>
    %exp3A_129 = math.exp %min3A_121 : vector<2048x1xf32>
    %mul3A_130 = arith.mulf %exp3A_129, %add3A_106 : vector<2048x1xf32>
    %exp3A_131 = math.exp %min3A_124 : vector<2048x1xf32>
    %mul3A_132 = arith.mulf %exp3A_131, %add3A_110 : vector<2048x1xf32>
    %mul3A_133 = arith.constant 5.000000e-01 : f32
    %mul3A_134 = vector.broadcast %mul3A_133 : f32 to vector<2048x1xf32>
    %mul3A_135 = arith.mulf %mul3A_134, %mul3A_130 : vector<2048x1xf32>
    %sub3A_136 = arith.subf %add3A_126, %mul3A_135 : vector<2048x1xf32>
    %mul3A_137 = arith.constant 5.000000e-01 : f32
    %mul3A_138 = vector.broadcast %mul3A_137 : f32 to vector<2048x1xf32>
    %mul3A_139 = arith.mulf %mul3A_138, %mul3A_132 : vector<2048x1xf32>
    %sub3A_140 = arith.subf %add3A_128, %mul3A_139 : vector<2048x1xf32>
    %mul3A_141 = arith.constant 5.000000e-01 : f32
    %mul3A_142 = vector.broadcast %mul3A_141 : f32 to vector<2048x1xf32>
    %mul3A_143 = arith.mulf %mul3A_142, %mul3A_130 : vector<2048x1xf32>
    %add3A_144 = arith.addf %add3A_126, %mul3A_143 : vector<2048x1xf32>
    %sub3A_145 = arith.constant 1.000000e+00 : f32
    %sub3A_146 = vector.broadcast %sub3A_145 : f32 to vector<2048x1xf32>
    %sub3A_147 = arith.subf %add3A_144, %sub3A_146 : vector<2048x1xf32>
    %mul3A_148 = arith.constant 5.000000e-01 : f32
    %mul3A_149 = vector.broadcast %mul3A_148 : f32 to vector<2048x1xf32>
    %mul3A_150 = arith.mulf %mul3A_149, %mul3A_132 : vector<2048x1xf32>
    %add3A_151 = arith.addf %add3A_128, %mul3A_150 : vector<2048x1xf32>
    %sub3A_152 = arith.constant 1.000000e+00 : f32
    %sub3A_153 = vector.broadcast %sub3A_152 : f32 to vector<2048x1xf32>
    %sub3A_154 = arith.subf %add3A_151, %sub3A_153 : vector<2048x1xf32>
    %jit3A_155 = arith.constant 0.000000e+00 : f32
    %jit3A_156 = arith.constant 1.023000e+03 : f32
    %max3A_157 = vector.broadcast %jit3A_155 : f32 to vector<2048x1xf32>
    %max3A_158 = arith.maximumf %max3A_157, %sub3A_136 : vector<2048x1xf32>
    %min3A_159 = vector.broadcast %jit3A_156 : f32 to vector<2048x1xf32>
    %min3A_160 = arith.minimumf %min3A_159, %max3A_158 : vector<2048x1xf32>
    %jit3A_161 = arith.constant 0.000000e+00 : f32
    %jit3A_162 = arith.constant 1.023000e+03 : f32
    %max3A_163 = vector.broadcast %jit3A_161 : f32 to vector<2048x1xf32>
    %max3A_164 = arith.maximumf %max3A_163, %sub3A_140 : vector<2048x1xf32>
    %min3A_165 = vector.broadcast %jit3A_162 : f32 to vector<2048x1xf32>
    %min3A_166 = arith.minimumf %min3A_165, %max3A_164 : vector<2048x1xf32>
    %jit3A_167 = arith.constant 0.000000e+00 : f32
    %jit3A_168 = arith.constant 1.023000e+03 : f32
    %max3A_169 = vector.broadcast %jit3A_167 : f32 to vector<2048x1xf32>
    %max3A_170 = arith.maximumf %max3A_169, %sub3A_147 : vector<2048x1xf32>
    %min3A_171 = vector.broadcast %jit3A_168 : f32 to vector<2048x1xf32>
    %min3A_172 = arith.minimumf %min3A_171, %max3A_170 : vector<2048x1xf32>
    %jit3A_173 = arith.constant 0.000000e+00 : f32
    %jit3A_174 = arith.constant 1.023000e+03 : f32
    %max3A_175 = vector.broadcast %jit3A_173 : f32 to vector<2048x1xf32>
    %max3A_176 = arith.maximumf %max3A_175, %sub3A_154 : vector<2048x1xf32>
    %min3A_177 = vector.broadcast %jit3A_174 : f32 to vector<2048x1xf32>
    %min3A_178 = arith.minimumf %min3A_177, %max3A_176 : vector<2048x1xf32>
    %sub3A_179 = arith.subf %min3A_88, %min3A_76 : vector<1x2048xf32>
    %add3A_180 = arith.constant 1.000000e+00 : f32
    %add3A_181 = vector.broadcast %add3A_180 : f32 to vector<1x2048xf32>
    %add3A_182 = arith.addf %sub3A_179, %add3A_181 : vector<1x2048xf32>
    %sub3A_183 = arith.subf %min3A_94, %min3A_82 : vector<1x2048xf32>
    %add3A_184 = arith.constant 1.000000e+00 : f32
    %add3A_185 = vector.broadcast %add3A_184 : f32 to vector<1x2048xf32>
    %add3A_186 = arith.addf %sub3A_183, %add3A_185 : vector<1x2048xf32>
    %mul3A_187 = arith.mulf %add3A_182, %add3A_186 : vector<1x2048xf32>
    %sub3A_188 = arith.subf %min3A_172, %min3A_160 : vector<2048x1xf32>
    %add3A_189 = arith.constant 1.000000e+00 : f32
    %add3A_190 = vector.broadcast %add3A_189 : f32 to vector<2048x1xf32>
    %add3A_191 = arith.addf %sub3A_188, %add3A_190 : vector<2048x1xf32>
    %sub3A_192 = arith.subf %min3A_178, %min3A_166 : vector<2048x1xf32>
    %add3A_193 = arith.constant 1.000000e+00 : f32
    %add3A_194 = vector.broadcast %add3A_193 : f32 to vector<2048x1xf32>
    %add3A_195 = arith.addf %sub3A_192, %add3A_194 : vector<2048x1xf32>
    %mul3A_196 = arith.mulf %add3A_191, %add3A_195 : vector<2048x1xf32>
    %iota3A = tpu.iota {dimensions = array<i32: 1>} : vector<1x2048xi32>
    %sub3A_197 = arith.subf %min3A_88, %min3A_76 : vector<1x2048xf32>
    %add3A_198 = arith.constant 1.000000e+00 : f32
    %add3A_199 = vector.broadcast %add3A_198 : f32 to vector<1x2048xf32>
    %add3A_200 = arith.addf %sub3A_197, %add3A_199 : vector<1x2048xf32>
    %sub3A_201 = arith.subf %min3A_94, %min3A_82 : vector<1x2048xf32>
    %add3A_202 = arith.constant 1.000000e+00 : f32
    %add3A_203 = vector.broadcast %add3A_202 : f32 to vector<1x2048xf32>
    %add3A_204 = arith.addf %sub3A_201, %add3A_203 : vector<1x2048xf32>
    %ge3A = arith.constant 0.000000e+00 : f32
    %ge3A_205 = vector.broadcast %ge3A : f32 to vector<1x2048xf32>
    %ge3A_206 = arith.cmpf oge, %add3A_200, %ge3A_205 : vector<1x2048xf32>
    %ge3A_207 = arith.constant 0.000000e+00 : f32
    %ge3A_208 = vector.broadcast %ge3A_207 : f32 to vector<1x2048xf32>
    %ge3A_209 = arith.cmpf oge, %add3A_204, %ge3A_208 : vector<1x2048xf32>
    %and3A = arith.andi %ge3A_206, %ge3A_209 : vector<1x2048xi1>
    %lt3A = arith.constant 2000 : i32
    %lt3A_210 = vector.broadcast %lt3A : i32 to vector<1x2048xi32>
    %lt3A_211 = arith.cmpi slt, %iota3A, %lt3A_210 : vector<1x2048xi32>
    %and3A_212 = arith.andi %and3A, %lt3A_211 : vector<1x2048xi1>
    %convert_element_type3A = arith.extui %and3A_212 : vector<1x2048xi1> to vector<1x2048xi32>
    %convert_element_type3A_213 = arith.sitofp %convert_element_type3A : vector<1x2048xi32> to vector<1x2048xf32>
    %iota3A_214 = tpu.iota {dimensions = array<i32: 1>} : vector<1x256xi32>
    %slice3A_215 = vector.extract_strided_slice %min3A_160 {offsets = [0, 0], sizes = [256, 1], strides = [1, 1]} : vector<2048x1xf32> to vector<256x1xf32>
    %max3A_216 = vector.broadcast %slice3A_215 : vector<256x1xf32> to vector<256x2048xf32>
    %max3A_217 = vector.broadcast %min3A_76 : vector<1x2048xf32> to vector<256x2048xf32>
    %max3A_218 = arith.maximumf %max3A_216, %max3A_217 : vector<256x2048xf32>
    %slice3A_219 = vector.extract_strided_slice %min3A_166 {offsets = [0, 0], sizes = [256, 1], strides = [1, 1]} : vector<2048x1xf32> to vector<256x1xf32>
    %max3A_220 = vector.broadcast %slice3A_219 : vector<256x1xf32> to vector<256x2048xf32>
    %max3A_221 = vector.broadcast %min3A_82 : vector<1x2048xf32> to vector<256x2048xf32>
    %max3A_222 = arith.maximumf %max3A_220, %max3A_221 : vector<256x2048xf32>
    %slice3A_223 = vector.extract_strided_slice %min3A_172 {offsets = [0, 0], sizes = [256, 1], strides = [1, 1]} : vector<2048x1xf32> to vector<256x1xf32>
    %min3A_224 = vector.broadcast %slice3A_223 : vector<256x1xf32> to vector<256x2048xf32>
    %min3A_225 = vector.broadcast %min3A_88 : vector<1x2048xf32> to vector<256x2048xf32>
    %min3A_226 = arith.minimumf %min3A_224, %min3A_225 : vector<256x2048xf32>
    %slice3A_227 = vector.extract_strided_slice %min3A_178 {offsets = [0, 0], sizes = [256, 1], strides = [1, 1]} : vector<2048x1xf32> to vector<256x1xf32>
    %min3A_228 = vector.broadcast %slice3A_227 : vector<256x1xf32> to vector<256x2048xf32>
    %min3A_229 = vector.broadcast %min3A_94 : vector<1x2048xf32> to vector<256x2048xf32>
    %min3A_230 = arith.minimumf %min3A_228, %min3A_229 : vector<256x2048xf32>
    %sub3A_231 = arith.subf %min3A_226, %max3A_218 : vector<256x2048xf32>
    %add3A_232 = arith.constant 1.000000e+00 : f32
    %add3A_233 = vector.broadcast %add3A_232 : f32 to vector<256x2048xf32>
    %add3A_234 = arith.addf %sub3A_231, %add3A_233 : vector<256x2048xf32>
    %max3A_235 = arith.constant 0.000000e+00 : f32
    %max3A_236 = vector.broadcast %max3A_235 : f32 to vector<256x2048xf32>
    %max3A_237 = arith.maximumf %add3A_234, %max3A_236 : vector<256x2048xf32>
    %sub3A_238 = arith.subf %min3A_230, %max3A_222 : vector<256x2048xf32>
    %add3A_239 = arith.constant 1.000000e+00 : f32
    %add3A_240 = vector.broadcast %add3A_239 : f32 to vector<256x2048xf32>
    %add3A_241 = arith.addf %sub3A_238, %add3A_240 : vector<256x2048xf32>
    %max3A_242 = arith.constant 0.000000e+00 : f32
    %max3A_243 = vector.broadcast %max3A_242 : f32 to vector<256x2048xf32>
    %max3A_244 = arith.maximumf %add3A_241, %max3A_243 : vector<256x2048xf32>
    %mul3A_245 = arith.mulf %max3A_237, %max3A_244 : vector<256x2048xf32>
    %slice3A_246 = vector.extract_strided_slice %mul3A_196 {offsets = [0, 0], sizes = [256, 1], strides = [1, 1]} : vector<2048x1xf32> to vector<256x1xf32>
    %add3A_247 = vector.broadcast %slice3A_246 : vector<256x1xf32> to vector<256x2048xf32>
    %add3A_248 = vector.broadcast %mul3A_187 : vector<1x2048xf32> to vector<256x2048xf32>
    %add3A_249 = arith.addf %add3A_247, %add3A_248 : vector<256x2048xf32>
    %sub3A_250 = arith.subf %add3A_249, %mul3A_245 : vector<256x2048xf32>
    %div3A = arith.divf %mul3A_245, %sub3A_250 : vector<256x2048xf32>
    %gt3A = arith.constant 0.699999988 : f32
    %gt3A_251 = vector.broadcast %gt3A : f32 to vector<256x2048xf32>
    %gt3A_252 = arith.cmpf ogt, %div3A, %gt3A_251 : vector<256x2048xf32>
    %convert_element_type3A_253 = arith.extui %gt3A_252 : vector<256x2048xi1> to vector<256x2048xi32>
    %convert_element_type3A_254 = arith.sitofp %convert_element_type3A_253 : vector<256x2048xi32> to vector<256x2048xf32>
    %slice3A_255 = vector.extract_strided_slice %convert_element_type3A_254 {offsets = [0, 0], sizes = [256, 256], strides = [1, 1]} : vector<256x2048xf32> to vector<256x256xf32>
    %swap3A = arith.constant 0 : index
    %swap3A_256 = arith.constant 0 : index
    %swap3A_257 = vector.load %arg7[%swap3A, %swap3A_256] : memref<256x256xf32, #tpu.memory_space<vmem>>, vector<256x256xf32>
    tpu.vector_store %arg7[%swap3A, %swap3A_256], %slice3A_255 {strides = array<i32>} : memref<256x256xf32, #tpu.memory_space<vmem>>, vector<256x256xf32>,
    %slice3A_258 = vector.extract_strided_slice %convert_element_type3A_213 {offsets = [0, 0], sizes = [1, 256], strides = [1, 1]} : vector<1x2048xf32> to vector<1x256xf32>
    %scan3A = arith.constant 0 : i32
    %scan3A_259 = arith.constant 256 : i32
    %scan3A_260 = arith.addi %scan3A, %scan3A_259 : i32
    %scan3A_261 = arith.constant 1 : i32
    %scan3A_262 = scf.for %scan3A_1291 = %scan3A to %scan3A_260 step %scan3A_261 iter_args(%scan3A_1292 = %slice3A_258) -> (vector<1x256xf32>)  : i32 {
      %eq3A_1293 = vector.broadcast %scan3A_1291 : i32 to vector<1x256xi32>
      %eq3A_1294 = arith.cmpi eq, %iota3A_214, %eq3A_1293 : vector<1x256xi32>
      %convert_element_type3A_1295 = arith.extui %eq3A_1294 : vector<1x256xi1> to vector<1x256xi32>
      %convert_element_type3A_1296 = arith.sitofp %convert_element_type3A_1295 : vector<1x256xi32> to vector<1x256xf32>
      %mul3A_1297 = arith.mulf %scan3A_1292, %convert_element_type3A_1296 : vector<1x256xf32>
      %reduce_sum3A_1298 = vector.shape_cast %mul3A_1297 : vector<1x256xf32> to vector<1x1x256xf32>
      %reduce_sum3A_1299 = arith.constant dense<0.000000e+00> : vector<1xf32>
      %reduce_sum3A_1300 = vector.multi_reduction <add>, %reduce_sum3A_1298, %reduce_sum3A_1299 [1, 2] : vector<1x1x256xf32> to vector<1xf32>
      %reduce_sum3A_1301 = vector.shape_cast %reduce_sum3A_1300 : vector<1xf32> to vector<1x1x1xf32>
      %reduce_sum3A_1302 = vector.extract %reduce_sum3A_1301[0, 0, 0] : f32 from vector<1x1x1xf32>
      %get3A_1303 = arith.index_cast %scan3A_1291 : i32 to index
      %get3A_1304 = arith.constant 0 : index
      %get3A_1305 = vector.load %arg7[%get3A_1303, %get3A_1304] : memref<256x256xf32, #tpu.memory_space<vmem>>, vector<1x256xf32>
      %gt3A_1306 = vector.broadcast %scan3A_1291 : i32 to vector<1x256xi32>
      %gt3A_1307 = arith.cmpi sgt, %iota3A_214, %gt3A_1306 : vector<1x256xi32>
      %convert_element_type3A_1308 = arith.extui %gt3A_1307 : vector<1x256xi1> to vector<1x256xi32>
      %convert_element_type3A_1309 = arith.sitofp %convert_element_type3A_1308 : vector<1x256xi32> to vector<1x256xf32>
      %mul3A_1310 = vector.broadcast %reduce_sum3A_1302 : f32 to vector<1x256xf32>
      %mul3A_1311 = arith.mulf %mul3A_1310, %get3A_1305 : vector<1x256xf32>
      %mul3A_1312 = arith.mulf %mul3A_1311, %convert_element_type3A_1309 : vector<1x256xf32>
      %sub3A_1313 = arith.constant 1.000000e+00 : f32
      %sub3A_1314 = vector.broadcast %sub3A_1313 : f32 to vector<1x256xf32>
      %sub3A_1315 = arith.subf %sub3A_1314, %mul3A_1312 : vector<1x256xf32>
      %mul3A_1316 = arith.mulf %scan3A_1292, %sub3A_1315 : vector<1x256xf32>
      scf.yield %mul3A_1316 : vector<1x256xf32>
    }
    %scan3A_263 = arith.constant 256 : i32
    %dot_general3A = arith.constant dense<0.000000e+00> : vector<1x2048xf32>
    %dot_general3A_264 = tpu.matmul %scan3A_262, %convert_element_type3A_254, %dot_general3A {dimension_numbers = #tpu.dot_dimension_numbers<[1], [0], [0], [1], [0, 0, 1, 1], [], []>, transpose_lhs_hint = false} : vector<1x256xf32>, vector<256x2048xf32>, vector<1x2048xf32> -> vector<1x2048xf32>
    %gt3A_265 = arith.constant 5.000000e-01 : f32
    %gt3A_266 = vector.broadcast %gt3A_265 : f32 to vector<1x2048xf32>
    %gt3A_267 = arith.cmpf ogt, %dot_general3A_264, %gt3A_266 : vector<1x2048xf32>
    %ge3A_268 = arith.constant 256 : i32
    %ge3A_269 = vector.broadcast %ge3A_268 : i32 to vector<1x2048xi32>
    %ge3A_270 = arith.cmpi sge, %iota3A, %ge3A_269 : vector<1x2048xi32>
    %and3A_271 = arith.andi %gt3A_267, %ge3A_270 : vector<1x2048xi1>
    %convert_element_type3A_272 = arith.extui %and3A_271 : vector<1x2048xi1> to vector<1x2048xi32>
    %convert_element_type3A_273 = arith.sitofp %convert_element_type3A_272 : vector<1x2048xi32> to vector<1x2048xf32>
    %sub3A_274 = arith.constant 1.000000e+00 : f32
    %sub3A_275 = vector.broadcast %sub3A_274 : f32 to vector<1x2048xf32>
    %sub3A_276 = arith.subf %sub3A_275, %convert_element_type3A_273 : vector<1x2048xf32>
    %mul3A_277 = arith.mulf %convert_element_type3A_213, %sub3A_276 : vector<1x2048xf32>
    %slice3A_278 = vector.extract_strided_slice %mul3A_277 {offsets = [0, 256], sizes = [1, 1792], strides = [1, 1]} : vector<1x2048xf32> to vector<1x1792xf32>
    %concatenate3A = tpu.concatenate %scan3A_262, %slice3A_278 in 1 : vector<1x256xf32>, vector<1x1792xf32> -> vector<1x2048xf32>
    %slice3A_279 = vector.extract_strided_slice %min3A_160 {offsets = [256, 0], sizes = [256, 1], strides = [1, 1]} : vector<2048x1xf32> to vector<256x1xf32>
    %max3A_280 = vector.broadcast %slice3A_279 : vector<256x1xf32> to vector<256x2048xf32>
    %max3A_281 = vector.broadcast %min3A_76 : vector<1x2048xf32> to vector<256x2048xf32>
    %max3A_282 = arith.maximumf %max3A_280, %max3A_281 : vector<256x2048xf32>
    %slice3A_283 = vector.extract_strided_slice %min3A_166 {offsets = [256, 0], sizes = [256, 1], strides = [1, 1]} : vector<2048x1xf32> to vector<256x1xf32>
    %max3A_284 = vector.broadcast %slice3A_283 : vector<256x1xf32> to vector<256x2048xf32>
    %max3A_285 = vector.broadcast %min3A_82 : vector<1x2048xf32> to vector<256x2048xf32>
    %max3A_286 = arith.maximumf %max3A_284, %max3A_285 : vector<256x2048xf32>
    %slice3A_287 = vector.extract_strided_slice %min3A_172 {offsets = [256, 0], sizes = [256, 1], strides = [1, 1]} : vector<2048x1xf32> to vector<256x1xf32>
    %min3A_288 = vector.broadcast %slice3A_287 : vector<256x1xf32> to vector<256x2048xf32>
    %min3A_289 = vector.broadcast %min3A_88 : vector<1x2048xf32> to vector<256x2048xf32>
    %min3A_290 = arith.minimumf %min3A_288, %min3A_289 : vector<256x2048xf32>
    %slice3A_291 = vector.extract_strided_slice %min3A_178 {offsets = [256, 0], sizes = [256, 1], strides = [1, 1]} : vector<2048x1xf32> to vector<256x1xf32>
    %min3A_292 = vector.broadcast %slice3A_291 : vector<256x1xf32> to vector<256x2048xf32>
    %min3A_293 = vector.broadcast %min3A_94 : vector<1x2048xf32> to vector<256x2048xf32>
    %min3A_294 = arith.minimumf %min3A_292, %min3A_293 : vector<256x2048xf32>
    %sub3A_295 = arith.subf %min3A_290, %max3A_282 : vector<256x2048xf32>
    %add3A_296 = arith.constant 1.000000e+00 : f32
    %add3A_297 = vector.broadcast %add3A_296 : f32 to vector<256x2048xf32>
    %add3A_298 = arith.addf %sub3A_295, %add3A_297 : vector<256x2048xf32>
    %max3A_299 = arith.constant 0.000000e+00 : f32
    %max3A_300 = vector.broadcast %max3A_299 : f32 to vector<256x2048xf32>
    %max3A_301 = arith.maximumf %add3A_298, %max3A_300 : vector<256x2048xf32>
    %sub3A_302 = arith.subf %min3A_294, %max3A_286 : vector<256x2048xf32>
    %add3A_303 = arith.constant 1.000000e+00 : f32
    %add3A_304 = vector.broadcast %add3A_303 : f32 to vector<256x2048xf32>
    %add3A_305 = arith.addf %sub3A_302, %add3A_304 : vector<256x2048xf32>
    %max3A_306 = arith.constant 0.000000e+00 : f32
    %max3A_307 = vector.broadcast %max3A_306 : f32 to vector<256x2048xf32>
    %max3A_308 = arith.maximumf %add3A_305, %max3A_307 : vector<256x2048xf32>
    %mul3A_309 = arith.mulf %max3A_301, %max3A_308 : vector<256x2048xf32>
    %slice3A_310 = vector.extract_strided_slice %mul3A_196 {offsets = [256, 0], sizes = [256, 1], strides = [1, 1]} : vector<2048x1xf32> to vector<256x1xf32>
    %add3A_311 = vector.broadcast %slice3A_310 : vector<256x1xf32> to vector<256x2048xf32>
    %add3A_312 = vector.broadcast %mul3A_187 : vector<1x2048xf32> to vector<256x2048xf32>
    %add3A_313 = arith.addf %add3A_311, %add3A_312 : vector<256x2048xf32>
    %sub3A_314 = arith.subf %add3A_313, %mul3A_309 : vector<256x2048xf32>
    %div3A_315 = arith.divf %mul3A_309, %sub3A_314 : vector<256x2048xf32>
    %gt3A_316 = arith.constant 0.699999988 : f32
    %gt3A_317 = vector.broadcast %gt3A_316 : f32 to vector<256x2048xf32>
    %gt3A_318 = arith.cmpf ogt, %div3A_315, %gt3A_317 : vector<256x2048xf32>
    %convert_element_type3A_319 = arith.extui %gt3A_318 : vector<256x2048xi1> to vector<256x2048xi32>
    %convert_element_type3A_320 = arith.sitofp %convert_element_type3A_319 : vector<256x2048xi32> to vector<256x2048xf32>
    %slice3A_321 = vector.extract_strided_slice %convert_element_type3A_320 {offsets = [0, 256], sizes = [256, 256], strides = [1, 1]} : vector<256x2048xf32> to vector<256x256xf32>
    %swap3A_322 = arith.constant 0 : index
    %swap3A_323 = arith.constant 0 : index
    %swap3A_324 = vector.load %arg7[%swap3A_322, %swap3A_323] : memref<256x256xf32, #tpu.memory_space<vmem>>, vector<256x256xf32>
    tpu.vector_store %arg7[%swap3A_322, %swap3A_323], %slice3A_321 {strides = array<i32>} : memref<256x256xf32, #tpu.memory_space<vmem>>, vector<256x256xf32>,
    %slice3A_325 = vector.extract_strided_slice %concatenate3A {offsets = [0, 256], sizes = [1, 256], strides = [1, 1]} : vector<1x2048xf32> to vector<1x256xf32>
    %scan3A_326 = arith.constant 0 : i32
    %scan3A_327 = arith.constant 256 : i32
    %scan3A_328 = arith.addi %scan3A_326, %scan3A_327 : i32
    %scan3A_329 = arith.constant 1 : i32
    %scan3A_330 = scf.for %scan3A_1291 = %scan3A_326 to %scan3A_328 step %scan3A_329 iter_args(%scan3A_1292 = %slice3A_325) -> (vector<1x256xf32>)  : i32 {
      %eq3A_1293 = vector.broadcast %scan3A_1291 : i32 to vector<1x256xi32>
      %eq3A_1294 = arith.cmpi eq, %iota3A_214, %eq3A_1293 : vector<1x256xi32>
      %convert_element_type3A_1295 = arith.extui %eq3A_1294 : vector<1x256xi1> to vector<1x256xi32>
      %convert_element_type3A_1296 = arith.sitofp %convert_element_type3A_1295 : vector<1x256xi32> to vector<1x256xf32>
      %mul3A_1297 = arith.mulf %scan3A_1292, %convert_element_type3A_1296 : vector<1x256xf32>
      %reduce_sum3A_1298 = vector.shape_cast %mul3A_1297 : vector<1x256xf32> to vector<1x1x256xf32>
      %reduce_sum3A_1299 = arith.constant dense<0.000000e+00> : vector<1xf32>
      %reduce_sum3A_1300 = vector.multi_reduction <add>, %reduce_sum3A_1298, %reduce_sum3A_1299 [1, 2] : vector<1x1x256xf32> to vector<1xf32>
      %reduce_sum3A_1301 = vector.shape_cast %reduce_sum3A_1300 : vector<1xf32> to vector<1x1x1xf32>
      %reduce_sum3A_1302 = vector.extract %reduce_sum3A_1301[0, 0, 0] : f32 from vector<1x1x1xf32>
      %get3A_1303 = arith.index_cast %scan3A_1291 : i32 to index
      %get3A_1304 = arith.constant 0 : index
      %get3A_1305 = vector.load %arg7[%get3A_1303, %get3A_1304] : memref<256x256xf32, #tpu.memory_space<vmem>>, vector<1x256xf32>
      %gt3A_1306 = vector.broadcast %scan3A_1291 : i32 to vector<1x256xi32>
      %gt3A_1307 = arith.cmpi sgt, %iota3A_214, %gt3A_1306 : vector<1x256xi32>
      %convert_element_type3A_1308 = arith.extui %gt3A_1307 : vector<1x256xi1> to vector<1x256xi32>
      %convert_element_type3A_1309 = arith.sitofp %convert_element_type3A_1308 : vector<1x256xi32> to vector<1x256xf32>
      %mul3A_1310 = vector.broadcast %reduce_sum3A_1302 : f32 to vector<1x256xf32>
      %mul3A_1311 = arith.mulf %mul3A_1310, %get3A_1305 : vector<1x256xf32>
      %mul3A_1312 = arith.mulf %mul3A_1311, %convert_element_type3A_1309 : vector<1x256xf32>
      %sub3A_1313 = arith.constant 1.000000e+00 : f32
      %sub3A_1314 = vector.broadcast %sub3A_1313 : f32 to vector<1x256xf32>
      %sub3A_1315 = arith.subf %sub3A_1314, %mul3A_1312 : vector<1x256xf32>
      %mul3A_1316 = arith.mulf %scan3A_1292, %sub3A_1315 : vector<1x256xf32>
      scf.yield %mul3A_1316 : vector<1x256xf32>
    }
    %scan3A_331 = arith.constant 256 : i32
    %dot_general3A_332 = arith.constant dense<0.000000e+00> : vector<1x2048xf32>
    %dot_general3A_333 = tpu.matmul %scan3A_330, %convert_element_type3A_320, %dot_general3A_332 {dimension_numbers = #tpu.dot_dimension_numbers<[1], [0], [0], [1], [0, 0, 1, 1], [], []>, transpose_lhs_hint = false} : vector<1x256xf32>, vector<256x2048xf32>, vector<1x2048xf32> -> vector<1x2048xf32>
    %gt3A_334 = arith.constant 5.000000e-01 : f32
    %gt3A_335 = vector.broadcast %gt3A_334 : f32 to vector<1x2048xf32>
    %gt3A_336 = arith.cmpf ogt, %dot_general3A_333, %gt3A_335 : vector<1x2048xf32>
    %ge3A_337 = arith.constant 512 : i32
    %ge3A_338 = vector.broadcast %ge3A_337 : i32 to vector<1x2048xi32>
    %ge3A_339 = arith.cmpi sge, %iota3A, %ge3A_338 : vector<1x2048xi32>
    %and3A_340 = arith.andi %gt3A_336, %ge3A_339 : vector<1x2048xi1>
    %convert_element_type3A_341 = arith.extui %and3A_340 : vector<1x2048xi1> to vector<1x2048xi32>
    %convert_element_type3A_342 = arith.sitofp %convert_element_type3A_341 : vector<1x2048xi32> to vector<1x2048xf32>
    %sub3A_343 = arith.constant 1.000000e+00 : f32
    %sub3A_344 = vector.broadcast %sub3A_343 : f32 to vector<1x2048xf32>
    %sub3A_345 = arith.subf %sub3A_344, %convert_element_type3A_342 : vector<1x2048xf32>
    %mul3A_346 = arith.mulf %concatenate3A, %sub3A_345 : vector<1x2048xf32>
    %slice3A_347 = vector.extract_strided_slice %mul3A_346 {offsets = [0, 0], sizes = [1, 256], strides = [1, 1]} : vector<1x2048xf32> to vector<1x256xf32>
    %slice3A_348 = vector.extract_strided_slice %mul3A_346 {offsets = [0, 512], sizes = [1, 1536], strides = [1, 1]} : vector<1x2048xf32> to vector<1x1536xf32>
    %concatenate3A_349 = tpu.concatenate %slice3A_347, %scan3A_330, %slice3A_348 in 1 : vector<1x256xf32>, vector<1x256xf32>, vector<1x1536xf32> -> vector<1x2048xf32>
    %slice3A_350 = vector.extract_strided_slice %min3A_160 {offsets = [512, 0], sizes = [256, 1], strides = [1, 1]} : vector<2048x1xf32> to vector<256x1xf32>
    %max3A_351 = vector.broadcast %slice3A_350 : vector<256x1xf32> to vector<256x2048xf32>
    %max3A_352 = vector.broadcast %min3A_76 : vector<1x2048xf32> to vector<256x2048xf32>
    %max3A_353 = arith.maximumf %max3A_351, %max3A_352 : vector<256x2048xf32>
    %slice3A_354 = vector.extract_strided_slice %min3A_166 {offsets = [512, 0], sizes = [256, 1], strides = [1, 1]} : vector<2048x1xf32> to vector<256x1xf32>
    %max3A_355 = vector.broadcast %slice3A_354 : vector<256x1xf32> to vector<256x2048xf32>
    %max3A_356 = vector.broadcast %min3A_82 : vector<1x2048xf32> to vector<256x2048xf32>
    %max3A_357 = arith.maximumf %max3A_355, %max3A_356 : vector<256x2048xf32>
    %slice3A_358 = vector.extract_strided_slice %min3A_172 {offsets = [512, 0], sizes = [256, 1], strides = [1, 1]} : vector<2048x1xf32> to vector<256x1xf32>
    %min3A_359 = vector.broadcast %slice3A_358 : vector<256x1xf32> to vector<256x2048xf32>
    %min3A_360 = vector.broadcast %min3A_88 : vector<1x2048xf32> to vector<256x2048xf32>
    %min3A_361 = arith.minimumf %min3A_359, %min3A_360 : vector<256x2048xf32>
    %slice3A_362 = vector.extract_strided_slice %min3A_178 {offsets = [512, 0], sizes = [256, 1], strides = [1, 1]} : vector<2048x1xf32> to vector<256x1xf32>
    %min3A_363 = vector.broadcast %slice3A_362 : vector<256x1xf32> to vector<256x2048xf32>
    %min3A_364 = vector.broadcast %min3A_94 : vector<1x2048xf32> to vector<256x2048xf32>
    %min3A_365 = arith.minimumf %min3A_363, %min3A_364 : vector<256x2048xf32>
    %sub3A_366 = arith.subf %min3A_361, %max3A_353 : vector<256x2048xf32>
    %add3A_367 = arith.constant 1.000000e+00 : f32
    %add3A_368 = vector.broadcast %add3A_367 : f32 to vector<256x2048xf32>
    %add3A_369 = arith.addf %sub3A_366, %add3A_368 : vector<256x2048xf32>
    %max3A_370 = arith.constant 0.000000e+00 : f32
    %max3A_371 = vector.broadcast %max3A_370 : f32 to vector<256x2048xf32>
    %max3A_372 = arith.maximumf %add3A_369, %max3A_371 : vector<256x2048xf32>
    %sub3A_373 = arith.subf %min3A_365, %max3A_357 : vector<256x2048xf32>
    %add3A_374 = arith.constant 1.000000e+00 : f32
    %add3A_375 = vector.broadcast %add3A_374 : f32 to vector<256x2048xf32>
    %add3A_376 = arith.addf %sub3A_373, %add3A_375 : vector<256x2048xf32>
    %max3A_377 = arith.constant 0.000000e+00 : f32
    %max3A_378 = vector.broadcast %max3A_377 : f32 to vector<256x2048xf32>
    %max3A_379 = arith.maximumf %add3A_376, %max3A_378 : vector<256x2048xf32>
    %mul3A_380 = arith.mulf %max3A_372, %max3A_379 : vector<256x2048xf32>
    %slice3A_381 = vector.extract_strided_slice %mul3A_196 {offsets = [512, 0], sizes = [256, 1], strides = [1, 1]} : vector<2048x1xf32> to vector<256x1xf32>
    %add3A_382 = vector.broadcast %slice3A_381 : vector<256x1xf32> to vector<256x2048xf32>
    %add3A_383 = vector.broadcast %mul3A_187 : vector<1x2048xf32> to vector<256x2048xf32>
    %add3A_384 = arith.addf %add3A_382, %add3A_383 : vector<256x2048xf32>
    %sub3A_385 = arith.subf %add3A_384, %mul3A_380 : vector<256x2048xf32>
    %div3A_386 = arith.divf %mul3A_380, %sub3A_385 : vector<256x2048xf32>
    %gt3A_387 = arith.constant 0.699999988 : f32
    %gt3A_388 = vector.broadcast %gt3A_387 : f32 to vector<256x2048xf32>
    %gt3A_389 = arith.cmpf ogt, %div3A_386, %gt3A_388 : vector<256x2048xf32>
    %convert_element_type3A_390 = arith.extui %gt3A_389 : vector<256x2048xi1> to vector<256x2048xi32>
    %convert_element_type3A_391 = arith.sitofp %convert_element_type3A_390 : vector<256x2048xi32> to vector<256x2048xf32>
    %slice3A_392 = vector.extract_strided_slice %convert_element_type3A_391 {offsets = [0, 512], sizes = [256, 256], strides = [1, 1]} : vector<256x2048xf32> to vector<256x256xf32>
    %swap3A_393 = arith.constant 0 : index
    %swap3A_394 = arith.constant 0 : index
    %swap3A_395 = vector.load %arg7[%swap3A_393, %swap3A_394] : memref<256x256xf32, #tpu.memory_space<vmem>>, vector<256x256xf32>
    tpu.vector_store %arg7[%swap3A_393, %swap3A_394], %slice3A_392 {strides = array<i32>} : memref<256x256xf32, #tpu.memory_space<vmem>>, vector<256x256xf32>,
    %slice3A_396 = vector.extract_strided_slice %concatenate3A_349 {offsets = [0, 512], sizes = [1, 256], strides = [1, 1]} : vector<1x2048xf32> to vector<1x256xf32>
    %scan3A_397 = arith.constant 0 : i32
    %scan3A_398 = arith.constant 256 : i32
    %scan3A_399 = arith.addi %scan3A_397, %scan3A_398 : i32
    %scan3A_400 = arith.constant 1 : i32
    %scan3A_401 = scf.for %scan3A_1291 = %scan3A_397 to %scan3A_399 step %scan3A_400 iter_args(%scan3A_1292 = %slice3A_396) -> (vector<1x256xf32>)  : i32 {
      %eq3A_1293 = vector.broadcast %scan3A_1291 : i32 to vector<1x256xi32>
      %eq3A_1294 = arith.cmpi eq, %iota3A_214, %eq3A_1293 : vector<1x256xi32>
      %convert_element_type3A_1295 = arith.extui %eq3A_1294 : vector<1x256xi1> to vector<1x256xi32>
      %convert_element_type3A_1296 = arith.sitofp %convert_element_type3A_1295 : vector<1x256xi32> to vector<1x256xf32>
      %mul3A_1297 = arith.mulf %scan3A_1292, %convert_element_type3A_1296 : vector<1x256xf32>
      %reduce_sum3A_1298 = vector.shape_cast %mul3A_1297 : vector<1x256xf32> to vector<1x1x256xf32>
      %reduce_sum3A_1299 = arith.constant dense<0.000000e+00> : vector<1xf32>
      %reduce_sum3A_1300 = vector.multi_reduction <add>, %reduce_sum3A_1298, %reduce_sum3A_1299 [1, 2] : vector<1x1x256xf32> to vector<1xf32>
      %reduce_sum3A_1301 = vector.shape_cast %reduce_sum3A_1300 : vector<1xf32> to vector<1x1x1xf32>
      %reduce_sum3A_1302 = vector.extract %reduce_sum3A_1301[0, 0, 0] : f32 from vector<1x1x1xf32>
      %get3A_1303 = arith.index_cast %scan3A_1291 : i32 to index
      %get3A_1304 = arith.constant 0 : index
      %get3A_1305 = vector.load %arg7[%get3A_1303, %get3A_1304] : memref<256x256xf32, #tpu.memory_space<vmem>>, vector<1x256xf32>
      %gt3A_1306 = vector.broadcast %scan3A_1291 : i32 to vector<1x256xi32>
      %gt3A_1307 = arith.cmpi sgt, %iota3A_214, %gt3A_1306 : vector<1x256xi32>
      %convert_element_type3A_1308 = arith.extui %gt3A_1307 : vector<1x256xi1> to vector<1x256xi32>
      %convert_element_type3A_1309 = arith.sitofp %convert_element_type3A_1308 : vector<1x256xi32> to vector<1x256xf32>
      %mul3A_1310 = vector.broadcast %reduce_sum3A_1302 : f32 to vector<1x256xf32>
      %mul3A_1311 = arith.mulf %mul3A_1310, %get3A_1305 : vector<1x256xf32>
      %mul3A_1312 = arith.mulf %mul3A_1311, %convert_element_type3A_1309 : vector<1x256xf32>
      %sub3A_1313 = arith.constant 1.000000e+00 : f32
      %sub3A_1314 = vector.broadcast %sub3A_1313 : f32 to vector<1x256xf32>
      %sub3A_1315 = arith.subf %sub3A_1314, %mul3A_1312 : vector<1x256xf32>
      %mul3A_1316 = arith.mulf %scan3A_1292, %sub3A_1315 : vector<1x256xf32>
      scf.yield %mul3A_1316 : vector<1x256xf32>
    }
    %scan3A_402 = arith.constant 256 : i32
    %dot_general3A_403 = arith.constant dense<0.000000e+00> : vector<1x2048xf32>
    %dot_general3A_404 = tpu.matmul %scan3A_401, %convert_element_type3A_391, %dot_general3A_403 {dimension_numbers = #tpu.dot_dimension_numbers<[1], [0], [0], [1], [0, 0, 1, 1], [], []>, transpose_lhs_hint = false} : vector<1x256xf32>, vector<256x2048xf32>, vector<1x2048xf32> -> vector<1x2048xf32>
    %gt3A_405 = arith.constant 5.000000e-01 : f32
    %gt3A_406 = vector.broadcast %gt3A_405 : f32 to vector<1x2048xf32>
    %gt3A_407 = arith.cmpf ogt, %dot_general3A_404, %gt3A_406 : vector<1x2048xf32>
    %ge3A_408 = arith.constant 768 : i32
    %ge3A_409 = vector.broadcast %ge3A_408 : i32 to vector<1x2048xi32>
    %ge3A_410 = arith.cmpi sge, %iota3A, %ge3A_409 : vector<1x2048xi32>
    %and3A_411 = arith.andi %gt3A_407, %ge3A_410 : vector<1x2048xi1>
    %convert_element_type3A_412 = arith.extui %and3A_411 : vector<1x2048xi1> to vector<1x2048xi32>
    %convert_element_type3A_413 = arith.sitofp %convert_element_type3A_412 : vector<1x2048xi32> to vector<1x2048xf32>
    %sub3A_414 = arith.constant 1.000000e+00 : f32
    %sub3A_415 = vector.broadcast %sub3A_414 : f32 to vector<1x2048xf32>
    %sub3A_416 = arith.subf %sub3A_415, %convert_element_type3A_413 : vector<1x2048xf32>
    %mul3A_417 = arith.mulf %concatenate3A_349, %sub3A_416 : vector<1x2048xf32>
    %slice3A_418 = vector.extract_strided_slice %mul3A_417 {offsets = [0, 0], sizes = [1, 512], strides = [1, 1]} : vector<1x2048xf32> to vector<1x512xf32>
    %slice3A_419 = vector.extract_strided_slice %mul3A_417 {offsets = [0, 768], sizes = [1, 1280], strides = [1, 1]} : vector<1x2048xf32> to vector<1x1280xf32>
    %concatenate3A_420 = tpu.concatenate %slice3A_418, %scan3A_401, %slice3A_419 in 1 : vector<1x512xf32>, vector<1x256xf32>, vector<1x1280xf32> -> vector<1x2048xf32>
    %slice3A_421 = vector.extract_strided_slice %min3A_160 {offsets = [768, 0], sizes = [256, 1], strides = [1, 1]} : vector<2048x1xf32> to vector<256x1xf32>
    %max3A_422 = vector.broadcast %slice3A_421 : vector<256x1xf32> to vector<256x2048xf32>
    %max3A_423 = vector.broadcast %min3A_76 : vector<1x2048xf32> to vector<256x2048xf32>
    %max3A_424 = arith.maximumf %max3A_422, %max3A_423 : vector<256x2048xf32>
    %slice3A_425 = vector.extract_strided_slice %min3A_166 {offsets = [768, 0], sizes = [256, 1], strides = [1, 1]} : vector<2048x1xf32> to vector<256x1xf32>
    %max3A_426 = vector.broadcast %slice3A_425 : vector<256x1xf32> to vector<256x2048xf32>
    %max3A_427 = vector.broadcast %min3A_82 : vector<1x2048xf32> to vector<256x2048xf32>
    %max3A_428 = arith.maximumf %max3A_426, %max3A_427 : vector<256x2048xf32>
    %slice3A_429 = vector.extract_strided_slice %min3A_172 {offsets = [768, 0], sizes = [256, 1], strides = [1, 1]} : vector<2048x1xf32> to vector<256x1xf32>
    %min3A_430 = vector.broadcast %slice3A_429 : vector<256x1xf32> to vector<256x2048xf32>
    %min3A_431 = vector.broadcast %min3A_88 : vector<1x2048xf32> to vector<256x2048xf32>
    %min3A_432 = arith.minimumf %min3A_430, %min3A_431 : vector<256x2048xf32>
    %slice3A_433 = vector.extract_strided_slice %min3A_178 {offsets = [768, 0], sizes = [256, 1], strides = [1, 1]} : vector<2048x1xf32> to vector<256x1xf32>
    %min3A_434 = vector.broadcast %slice3A_433 : vector<256x1xf32> to vector<256x2048xf32>
    %min3A_435 = vector.broadcast %min3A_94 : vector<1x2048xf32> to vector<256x2048xf32>
    %min3A_436 = arith.minimumf %min3A_434, %min3A_435 : vector<256x2048xf32>
    %sub3A_437 = arith.subf %min3A_432, %max3A_424 : vector<256x2048xf32>
    %add3A_438 = arith.constant 1.000000e+00 : f32
    %add3A_439 = vector.broadcast %add3A_438 : f32 to vector<256x2048xf32>
    %add3A_440 = arith.addf %sub3A_437, %add3A_439 : vector<256x2048xf32>
    %max3A_441 = arith.constant 0.000000e+00 : f32
    %max3A_442 = vector.broadcast %max3A_441 : f32 to vector<256x2048xf32>
    %max3A_443 = arith.maximumf %add3A_440, %max3A_442 : vector<256x2048xf32>
    %sub3A_444 = arith.subf %min3A_436, %max3A_428 : vector<256x2048xf32>
    %add3A_445 = arith.constant 1.000000e+00 : f32
    %add3A_446 = vector.broadcast %add3A_445 : f32 to vector<256x2048xf32>
    %add3A_447 = arith.addf %sub3A_444, %add3A_446 : vector<256x2048xf32>
    %max3A_448 = arith.constant 0.000000e+00 : f32
    %max3A_449 = vector.broadcast %max3A_448 : f32 to vector<256x2048xf32>
    %max3A_450 = arith.maximumf %add3A_447, %max3A_449 : vector<256x2048xf32>
    %mul3A_451 = arith.mulf %max3A_443, %max3A_450 : vector<256x2048xf32>
    %slice3A_452 = vector.extract_strided_slice %mul3A_196 {offsets = [768, 0], sizes = [256, 1], strides = [1, 1]} : vector<2048x1xf32> to vector<256x1xf32>
    %add3A_453 = vector.broadcast %slice3A_452 : vector<256x1xf32> to vector<256x2048xf32>
    %add3A_454 = vector.broadcast %mul3A_187 : vector<1x2048xf32> to vector<256x2048xf32>
    %add3A_455 = arith.addf %add3A_453, %add3A_454 : vector<256x2048xf32>
    %sub3A_456 = arith.subf %add3A_455, %mul3A_451 : vector<256x2048xf32>
    %div3A_457 = arith.divf %mul3A_451, %sub3A_456 : vector<256x2048xf32>
    %gt3A_458 = arith.constant 0.699999988 : f32
    %gt3A_459 = vector.broadcast %gt3A_458 : f32 to vector<256x2048xf32>
    %gt3A_460 = arith.cmpf ogt, %div3A_457, %gt3A_459 : vector<256x2048xf32>
    %convert_element_type3A_461 = arith.extui %gt3A_460 : vector<256x2048xi1> to vector<256x2048xi32>
    %convert_element_type3A_462 = arith.sitofp %convert_element_type3A_461 : vector<256x2048xi32> to vector<256x2048xf32>
    %slice3A_463 = vector.extract_strided_slice %convert_element_type3A_462 {offsets = [0, 768], sizes = [256, 256], strides = [1, 1]} : vector<256x2048xf32> to vector<256x256xf32>
    %swap3A_464 = arith.constant 0 : index
    %swap3A_465 = arith.constant 0 : index
    %swap3A_466 = vector.load %arg7[%swap3A_464, %swap3A_465] : memref<256x256xf32, #tpu.memory_space<vmem>>, vector<256x256xf32>
    tpu.vector_store %arg7[%swap3A_464, %swap3A_465], %slice3A_463 {strides = array<i32>} : memref<256x256xf32, #tpu.memory_space<vmem>>, vector<256x256xf32>,
    %slice3A_467 = vector.extract_strided_slice %concatenate3A_420 {offsets = [0, 768], sizes = [1, 256], strides = [1, 1]} : vector<1x2048xf32> to vector<1x256xf32>
    %scan3A_468 = arith.constant 0 : i32
    %scan3A_469 = arith.constant 256 : i32
    %scan3A_470 = arith.addi %scan3A_468, %scan3A_469 : i32
    %scan3A_471 = arith.constant 1 : i32
    %scan3A_472 = scf.for %scan3A_1291 = %scan3A_468 to %scan3A_470 step %scan3A_471 iter_args(%scan3A_1292 = %slice3A_467) -> (vector<1x256xf32>)  : i32 {
      %eq3A_1293 = vector.broadcast %scan3A_1291 : i32 to vector<1x256xi32>
      %eq3A_1294 = arith.cmpi eq, %iota3A_214, %eq3A_1293 : vector<1x256xi32>
      %convert_element_type3A_1295 = arith.extui %eq3A_1294 : vector<1x256xi1> to vector<1x256xi32>
      %convert_element_type3A_1296 = arith.sitofp %convert_element_type3A_1295 : vector<1x256xi32> to vector<1x256xf32>
      %mul3A_1297 = arith.mulf %scan3A_1292, %convert_element_type3A_1296 : vector<1x256xf32>
      %reduce_sum3A_1298 = vector.shape_cast %mul3A_1297 : vector<1x256xf32> to vector<1x1x256xf32>
      %reduce_sum3A_1299 = arith.constant dense<0.000000e+00> : vector<1xf32>
      %reduce_sum3A_1300 = vector.multi_reduction <add>, %reduce_sum3A_1298, %reduce_sum3A_1299 [1, 2] : vector<1x1x256xf32> to vector<1xf32>
      %reduce_sum3A_1301 = vector.shape_cast %reduce_sum3A_1300 : vector<1xf32> to vector<1x1x1xf32>
      %reduce_sum3A_1302 = vector.extract %reduce_sum3A_1301[0, 0, 0] : f32 from vector<1x1x1xf32>
      %get3A_1303 = arith.index_cast %scan3A_1291 : i32 to index
      %get3A_1304 = arith.constant 0 : index
      %get3A_1305 = vector.load %arg7[%get3A_1303, %get3A_1304] : memref<256x256xf32, #tpu.memory_space<vmem>>, vector<1x256xf32>
      %gt3A_1306 = vector.broadcast %scan3A_1291 : i32 to vector<1x256xi32>
      %gt3A_1307 = arith.cmpi sgt, %iota3A_214, %gt3A_1306 : vector<1x256xi32>
      %convert_element_type3A_1308 = arith.extui %gt3A_1307 : vector<1x256xi1> to vector<1x256xi32>
      %convert_element_type3A_1309 = arith.sitofp %convert_element_type3A_1308 : vector<1x256xi32> to vector<1x256xf32>
      %mul3A_1310 = vector.broadcast %reduce_sum3A_1302 : f32 to vector<1x256xf32>
      %mul3A_1311 = arith.mulf %mul3A_1310, %get3A_1305 : vector<1x256xf32>
      %mul3A_1312 = arith.mulf %mul3A_1311, %convert_element_type3A_1309 : vector<1x256xf32>
      %sub3A_1313 = arith.constant 1.000000e+00 : f32
      %sub3A_1314 = vector.broadcast %sub3A_1313 : f32 to vector<1x256xf32>
      %sub3A_1315 = arith.subf %sub3A_1314, %mul3A_1312 : vector<1x256xf32>
      %mul3A_1316 = arith.mulf %scan3A_1292, %sub3A_1315 : vector<1x256xf32>
      scf.yield %mul3A_1316 : vector<1x256xf32>
    }
    %scan3A_473 = arith.constant 256 : i32
    %dot_general3A_474 = arith.constant dense<0.000000e+00> : vector<1x2048xf32>
    %dot_general3A_475 = tpu.matmul %scan3A_472, %convert_element_type3A_462, %dot_general3A_474 {dimension_numbers = #tpu.dot_dimension_numbers<[1], [0], [0], [1], [0, 0, 1, 1], [], []>, transpose_lhs_hint = false} : vector<1x256xf32>, vector<256x2048xf32>, vector<1x2048xf32> -> vector<1x2048xf32>
    %gt3A_476 = arith.constant 5.000000e-01 : f32
    %gt3A_477 = vector.broadcast %gt3A_476 : f32 to vector<1x2048xf32>
    %gt3A_478 = arith.cmpf ogt, %dot_general3A_475, %gt3A_477 : vector<1x2048xf32>
    %ge3A_479 = arith.constant 1024 : i32
    %ge3A_480 = vector.broadcast %ge3A_479 : i32 to vector<1x2048xi32>
    %ge3A_481 = arith.cmpi sge, %iota3A, %ge3A_480 : vector<1x2048xi32>
    %and3A_482 = arith.andi %gt3A_478, %ge3A_481 : vector<1x2048xi1>
    %convert_element_type3A_483 = arith.extui %and3A_482 : vector<1x2048xi1> to vector<1x2048xi32>
    %convert_element_type3A_484 = arith.sitofp %convert_element_type3A_483 : vector<1x2048xi32> to vector<1x2048xf32>
    %sub3A_485 = arith.constant 1.000000e+00 : f32
    %sub3A_486 = vector.broadcast %sub3A_485 : f32 to vector<1x2048xf32>
    %sub3A_487 = arith.subf %sub3A_486, %convert_element_type3A_484 : vector<1x2048xf32>
    %mul3A_488 = arith.mulf %concatenate3A_420, %sub3A_487 : vector<1x2048xf32>
    %slice3A_489 = vector.extract_strided_slice %mul3A_488 {offsets = [0, 0], sizes = [1, 768], strides = [1, 1]} : vector<1x2048xf32> to vector<1x768xf32>
    %slice3A_490 = vector.extract_strided_slice %mul3A_488 {offsets = [0, 1024], sizes = [1, 1024], strides = [1, 1]} : vector<1x2048xf32> to vector<1x1024xf32>
    %concatenate3A_491 = tpu.concatenate %slice3A_489, %scan3A_472, %slice3A_490 in 1 : vector<1x768xf32>, vector<1x256xf32>, vector<1x1024xf32> -> vector<1x2048xf32>
    %slice3A_492 = vector.extract_strided_slice %min3A_160 {offsets = [1024, 0], sizes = [256, 1], strides = [1, 1]} : vector<2048x1xf32> to vector<256x1xf32>
    %max3A_493 = vector.broadcast %slice3A_492 : vector<256x1xf32> to vector<256x2048xf32>
    %max3A_494 = vector.broadcast %min3A_76 : vector<1x2048xf32> to vector<256x2048xf32>
    %max3A_495 = arith.maximumf %max3A_493, %max3A_494 : vector<256x2048xf32>
    %slice3A_496 = vector.extract_strided_slice %min3A_166 {offsets = [1024, 0], sizes = [256, 1], strides = [1, 1]} : vector<2048x1xf32> to vector<256x1xf32>
    %max3A_497 = vector.broadcast %slice3A_496 : vector<256x1xf32> to vector<256x2048xf32>
    %max3A_498 = vector.broadcast %min3A_82 : vector<1x2048xf32> to vector<256x2048xf32>
    %max3A_499 = arith.maximumf %max3A_497, %max3A_498 : vector<256x2048xf32>
    %slice3A_500 = vector.extract_strided_slice %min3A_172 {offsets = [1024, 0], sizes = [256, 1], strides = [1, 1]} : vector<2048x1xf32> to vector<256x1xf32>
    %min3A_501 = vector.broadcast %slice3A_500 : vector<256x1xf32> to vector<256x2048xf32>
    %min3A_502 = vector.broadcast %min3A_88 : vector<1x2048xf32> to vector<256x2048xf32>
    %min3A_503 = arith.minimumf %min3A_501, %min3A_502 : vector<256x2048xf32>
    %slice3A_504 = vector.extract_strided_slice %min3A_178 {offsets = [1024, 0], sizes = [256, 1], strides = [1, 1]} : vector<2048x1xf32> to vector<256x1xf32>
    %min3A_505 = vector.broadcast %slice3A_504 : vector<256x1xf32> to vector<256x2048xf32>
    %min3A_506 = vector.broadcast %min3A_94 : vector<1x2048xf32> to vector<256x2048xf32>
    %min3A_507 = arith.minimumf %min3A_505, %min3A_506 : vector<256x2048xf32>
    %sub3A_508 = arith.subf %min3A_503, %max3A_495 : vector<256x2048xf32>
    %add3A_509 = arith.constant 1.000000e+00 : f32
    %add3A_510 = vector.broadcast %add3A_509 : f32 to vector<256x2048xf32>
    %add3A_511 = arith.addf %sub3A_508, %add3A_510 : vector<256x2048xf32>
    %max3A_512 = arith.constant 0.000000e+00 : f32
    %max3A_513 = vector.broadcast %max3A_512 : f32 to vector<256x2048xf32>
    %max3A_514 = arith.maximumf %add3A_511, %max3A_513 : vector<256x2048xf32>
    %sub3A_515 = arith.subf %min3A_507, %max3A_499 : vector<256x2048xf32>
    %add3A_516 = arith.constant 1.000000e+00 : f32
    %add3A_517 = vector.broadcast %add3A_516 : f32 to vector<256x2048xf32>
    %add3A_518 = arith.addf %sub3A_515, %add3A_517 : vector<256x2048xf32>
    %max3A_519 = arith.constant 0.000000e+00 : f32
    %max3A_520 = vector.broadcast %max3A_519 : f32 to vector<256x2048xf32>
    %max3A_521 = arith.maximumf %add3A_518, %max3A_520 : vector<256x2048xf32>
    %mul3A_522 = arith.mulf %max3A_514, %max3A_521 : vector<256x2048xf32>
    %slice3A_523 = vector.extract_strided_slice %mul3A_196 {offsets = [1024, 0], sizes = [256, 1], strides = [1, 1]} : vector<2048x1xf32> to vector<256x1xf32>
    %add3A_524 = vector.broadcast %slice3A_523 : vector<256x1xf32> to vector<256x2048xf32>
    %add3A_525 = vector.broadcast %mul3A_187 : vector<1x2048xf32> to vector<256x2048xf32>
    %add3A_526 = arith.addf %add3A_524, %add3A_525 : vector<256x2048xf32>
    %sub3A_527 = arith.subf %add3A_526, %mul3A_522 : vector<256x2048xf32>
    %div3A_528 = arith.divf %mul3A_522, %sub3A_527 : vector<256x2048xf32>
    %gt3A_529 = arith.constant 0.699999988 : f32
    %gt3A_530 = vector.broadcast %gt3A_529 : f32 to vector<256x2048xf32>
    %gt3A_531 = arith.cmpf ogt, %div3A_528, %gt3A_530 : vector<256x2048xf32>
    %convert_element_type3A_532 = arith.extui %gt3A_531 : vector<256x2048xi1> to vector<256x2048xi32>
    %convert_element_type3A_533 = arith.sitofp %convert_element_type3A_532 : vector<256x2048xi32> to vector<256x2048xf32>
    %slice3A_534 = vector.extract_strided_slice %convert_element_type3A_533 {offsets = [0, 1024], sizes = [256, 256], strides = [1, 1]} : vector<256x2048xf32> to vector<256x256xf32>
    %swap3A_535 = arith.constant 0 : index
    %swap3A_536 = arith.constant 0 : index
    %swap3A_537 = vector.load %arg7[%swap3A_535, %swap3A_536] : memref<256x256xf32, #tpu.memory_space<vmem>>, vector<256x256xf32>
    tpu.vector_store %arg7[%swap3A_535, %swap3A_536], %slice3A_534 {strides = array<i32>} : memref<256x256xf32, #tpu.memory_space<vmem>>, vector<256x256xf32>,
    %slice3A_538 = vector.extract_strided_slice %concatenate3A_491 {offsets = [0, 1024], sizes = [1, 256], strides = [1, 1]} : vector<1x2048xf32> to vector<1x256xf32>
    %scan3A_539 = arith.constant 0 : i32
    %scan3A_540 = arith.constant 256 : i32
    %scan3A_541 = arith.addi %scan3A_539, %scan3A_540 : i32
    %scan3A_542 = arith.constant 1 : i32
    %scan3A_543 = scf.for %scan3A_1291 = %scan3A_539 to %scan3A_541 step %scan3A_542 iter_args(%scan3A_1292 = %slice3A_538) -> (vector<1x256xf32>)  : i32 {
      %eq3A_1293 = vector.broadcast %scan3A_1291 : i32 to vector<1x256xi32>
      %eq3A_1294 = arith.cmpi eq, %iota3A_214, %eq3A_1293 : vector<1x256xi32>
      %convert_element_type3A_1295 = arith.extui %eq3A_1294 : vector<1x256xi1> to vector<1x256xi32>
      %convert_element_type3A_1296 = arith.sitofp %convert_element_type3A_1295 : vector<1x256xi32> to vector<1x256xf32>
      %mul3A_1297 = arith.mulf %scan3A_1292, %convert_element_type3A_1296 : vector<1x256xf32>
      %reduce_sum3A_1298 = vector.shape_cast %mul3A_1297 : vector<1x256xf32> to vector<1x1x256xf32>
      %reduce_sum3A_1299 = arith.constant dense<0.000000e+00> : vector<1xf32>
      %reduce_sum3A_1300 = vector.multi_reduction <add>, %reduce_sum3A_1298, %reduce_sum3A_1299 [1, 2] : vector<1x1x256xf32> to vector<1xf32>
      %reduce_sum3A_1301 = vector.shape_cast %reduce_sum3A_1300 : vector<1xf32> to vector<1x1x1xf32>
      %reduce_sum3A_1302 = vector.extract %reduce_sum3A_1301[0, 0, 0] : f32 from vector<1x1x1xf32>
      %get3A_1303 = arith.index_cast %scan3A_1291 : i32 to index
      %get3A_1304 = arith.constant 0 : index
      %get3A_1305 = vector.load %arg7[%get3A_1303, %get3A_1304] : memref<256x256xf32, #tpu.memory_space<vmem>>, vector<1x256xf32>
      %gt3A_1306 = vector.broadcast %scan3A_1291 : i32 to vector<1x256xi32>
      %gt3A_1307 = arith.cmpi sgt, %iota3A_214, %gt3A_1306 : vector<1x256xi32>
      %convert_element_type3A_1308 = arith.extui %gt3A_1307 : vector<1x256xi1> to vector<1x256xi32>
      %convert_element_type3A_1309 = arith.sitofp %convert_element_type3A_1308 : vector<1x256xi32> to vector<1x256xf32>
      %mul3A_1310 = vector.broadcast %reduce_sum3A_1302 : f32 to vector<1x256xf32>
      %mul3A_1311 = arith.mulf %mul3A_1310, %get3A_1305 : vector<1x256xf32>
      %mul3A_1312 = arith.mulf %mul3A_1311, %convert_element_type3A_1309 : vector<1x256xf32>
      %sub3A_1313 = arith.constant 1.000000e+00 : f32
      %sub3A_1314 = vector.broadcast %sub3A_1313 : f32 to vector<1x256xf32>
      %sub3A_1315 = arith.subf %sub3A_1314, %mul3A_1312 : vector<1x256xf32>
      %mul3A_1316 = arith.mulf %scan3A_1292, %sub3A_1315 : vector<1x256xf32>
      scf.yield %mul3A_1316 : vector<1x256xf32>
    }
    %scan3A_544 = arith.constant 256 : i32
    %dot_general3A_545 = arith.constant dense<0.000000e+00> : vector<1x2048xf32>
    %dot_general3A_546 = tpu.matmul %scan3A_543, %convert_element_type3A_533, %dot_general3A_545 {dimension_numbers = #tpu.dot_dimension_numbers<[1], [0], [0], [1], [0, 0, 1, 1], [], []>, transpose_lhs_hint = false} : vector<1x256xf32>, vector<256x2048xf32>, vector<1x2048xf32> -> vector<1x2048xf32>
    %gt3A_547 = arith.constant 5.000000e-01 : f32
    %gt3A_548 = vector.broadcast %gt3A_547 : f32 to vector<1x2048xf32>
    %gt3A_549 = arith.cmpf ogt, %dot_general3A_546, %gt3A_548 : vector<1x2048xf32>
    %ge3A_550 = arith.constant 1280 : i32
    %ge3A_551 = vector.broadcast %ge3A_550 : i32 to vector<1x2048xi32>
    %ge3A_552 = arith.cmpi sge, %iota3A, %ge3A_551 : vector<1x2048xi32>
    %and3A_553 = arith.andi %gt3A_549, %ge3A_552 : vector<1x2048xi1>
    %convert_element_type3A_554 = arith.extui %and3A_553 : vector<1x2048xi1> to vector<1x2048xi32>
    %convert_element_type3A_555 = arith.sitofp %convert_element_type3A_554 : vector<1x2048xi32> to vector<1x2048xf32>
    %sub3A_556 = arith.constant 1.000000e+00 : f32
    %sub3A_557 = vector.broadcast %sub3A_556 : f32 to vector<1x2048xf32>
    %sub3A_558 = arith.subf %sub3A_557, %convert_element_type3A_555 : vector<1x2048xf32>
    %mul3A_559 = arith.mulf %concatenate3A_491, %sub3A_558 : vector<1x2048xf32>
    %slice3A_560 = vector.extract_strided_slice %mul3A_559 {offsets = [0, 0], sizes = [1, 1024], strides = [1, 1]} : vector<1x2048xf32> to vector<1x1024xf32>
    %slice3A_561 = vector.extract_strided_slice %mul3A_559 {offsets = [0, 1280], sizes = [1, 768], strides = [1, 1]} : vector<1x2048xf32> to vector<1x768xf32>
    %concatenate3A_562 = tpu.concatenate %slice3A_560, %scan3A_543, %slice3A_561 in 1 : vector<1x1024xf32>, vector<1x256xf32>, vector<1x768xf32> -> vector<1x2048xf32>
    %slice3A_563 = vector.extract_strided_slice %min3A_160 {offsets = [1280, 0], sizes = [256, 1], strides = [1, 1]} : vector<2048x1xf32> to vector<256x1xf32>
    %max3A_564 = vector.broadcast %slice3A_563 : vector<256x1xf32> to vector<256x2048xf32>
    %max3A_565 = vector.broadcast %min3A_76 : vector<1x2048xf32> to vector<256x2048xf32>
    %max3A_566 = arith.maximumf %max3A_564, %max3A_565 : vector<256x2048xf32>
    %slice3A_567 = vector.extract_strided_slice %min3A_166 {offsets = [1280, 0], sizes = [256, 1], strides = [1, 1]} : vector<2048x1xf32> to vector<256x1xf32>
    %max3A_568 = vector.broadcast %slice3A_567 : vector<256x1xf32> to vector<256x2048xf32>
    %max3A_569 = vector.broadcast %min3A_82 : vector<1x2048xf32> to vector<256x2048xf32>
    %max3A_570 = arith.maximumf %max3A_568, %max3A_569 : vector<256x2048xf32>
    %slice3A_571 = vector.extract_strided_slice %min3A_172 {offsets = [1280, 0], sizes = [256, 1], strides = [1, 1]} : vector<2048x1xf32> to vector<256x1xf32>
    %min3A_572 = vector.broadcast %slice3A_571 : vector<256x1xf32> to vector<256x2048xf32>
    %min3A_573 = vector.broadcast %min3A_88 : vector<1x2048xf32> to vector<256x2048xf32>
    %min3A_574 = arith.minimumf %min3A_572, %min3A_573 : vector<256x2048xf32>
    %slice3A_575 = vector.extract_strided_slice %min3A_178 {offsets = [1280, 0], sizes = [256, 1], strides = [1, 1]} : vector<2048x1xf32> to vector<256x1xf32>
    %min3A_576 = vector.broadcast %slice3A_575 : vector<256x1xf32> to vector<256x2048xf32>
    %min3A_577 = vector.broadcast %min3A_94 : vector<1x2048xf32> to vector<256x2048xf32>
    %min3A_578 = arith.minimumf %min3A_576, %min3A_577 : vector<256x2048xf32>
    %sub3A_579 = arith.subf %min3A_574, %max3A_566 : vector<256x2048xf32>
    %add3A_580 = arith.constant 1.000000e+00 : f32
    %add3A_581 = vector.broadcast %add3A_580 : f32 to vector<256x2048xf32>
    %add3A_582 = arith.addf %sub3A_579, %add3A_581 : vector<256x2048xf32>
    %max3A_583 = arith.constant 0.000000e+00 : f32
    %max3A_584 = vector.broadcast %max3A_583 : f32 to vector<256x2048xf32>
    %max3A_585 = arith.maximumf %add3A_582, %max3A_584 : vector<256x2048xf32>
    %sub3A_586 = arith.subf %min3A_578, %max3A_570 : vector<256x2048xf32>
    %add3A_587 = arith.constant 1.000000e+00 : f32
    %add3A_588 = vector.broadcast %add3A_587 : f32 to vector<256x2048xf32>
    %add3A_589 = arith.addf %sub3A_586, %add3A_588 : vector<256x2048xf32>
    %max3A_590 = arith.constant 0.000000e+00 : f32
    %max3A_591 = vector.broadcast %max3A_590 : f32 to vector<256x2048xf32>
    %max3A_592 = arith.maximumf %add3A_589, %max3A_591 : vector<256x2048xf32>
    %mul3A_593 = arith.mulf %max3A_585, %max3A_592 : vector<256x2048xf32>
    %slice3A_594 = vector.extract_strided_slice %mul3A_196 {offsets = [1280, 0], sizes = [256, 1], strides = [1, 1]} : vector<2048x1xf32> to vector<256x1xf32>
    %add3A_595 = vector.broadcast %slice3A_594 : vector<256x1xf32> to vector<256x2048xf32>
    %add3A_596 = vector.broadcast %mul3A_187 : vector<1x2048xf32> to vector<256x2048xf32>
    %add3A_597 = arith.addf %add3A_595, %add3A_596 : vector<256x2048xf32>
    %sub3A_598 = arith.subf %add3A_597, %mul3A_593 : vector<256x2048xf32>
    %div3A_599 = arith.divf %mul3A_593, %sub3A_598 : vector<256x2048xf32>
    %gt3A_600 = arith.constant 0.699999988 : f32
    %gt3A_601 = vector.broadcast %gt3A_600 : f32 to vector<256x2048xf32>
    %gt3A_602 = arith.cmpf ogt, %div3A_599, %gt3A_601 : vector<256x2048xf32>
    %convert_element_type3A_603 = arith.extui %gt3A_602 : vector<256x2048xi1> to vector<256x2048xi32>
    %convert_element_type3A_604 = arith.sitofp %convert_element_type3A_603 : vector<256x2048xi32> to vector<256x2048xf32>
    %slice3A_605 = vector.extract_strided_slice %convert_element_type3A_604 {offsets = [0, 1280], sizes = [256, 256], strides = [1, 1]} : vector<256x2048xf32> to vector<256x256xf32>
    %swap3A_606 = arith.constant 0 : index
    %swap3A_607 = arith.constant 0 : index
    %swap3A_608 = vector.load %arg7[%swap3A_606, %swap3A_607] : memref<256x256xf32, #tpu.memory_space<vmem>>, vector<256x256xf32>
    tpu.vector_store %arg7[%swap3A_606, %swap3A_607], %slice3A_605 {strides = array<i32>} : memref<256x256xf32, #tpu.memory_space<vmem>>, vector<256x256xf32>,
    %slice3A_609 = vector.extract_strided_slice %concatenate3A_562 {offsets = [0, 1280], sizes = [1, 256], strides = [1, 1]} : vector<1x2048xf32> to vector<1x256xf32>
    %scan3A_610 = arith.constant 0 : i32
    %scan3A_611 = arith.constant 256 : i32
    %scan3A_612 = arith.addi %scan3A_610, %scan3A_611 : i32
    %scan3A_613 = arith.constant 1 : i32
    %scan3A_614 = scf.for %scan3A_1291 = %scan3A_610 to %scan3A_612 step %scan3A_613 iter_args(%scan3A_1292 = %slice3A_609) -> (vector<1x256xf32>)  : i32 {
      %eq3A_1293 = vector.broadcast %scan3A_1291 : i32 to vector<1x256xi32>
      %eq3A_1294 = arith.cmpi eq, %iota3A_214, %eq3A_1293 : vector<1x256xi32>
      %convert_element_type3A_1295 = arith.extui %eq3A_1294 : vector<1x256xi1> to vector<1x256xi32>
      %convert_element_type3A_1296 = arith.sitofp %convert_element_type3A_1295 : vector<1x256xi32> to vector<1x256xf32>
      %mul3A_1297 = arith.mulf %scan3A_1292, %convert_element_type3A_1296 : vector<1x256xf32>
      %reduce_sum3A_1298 = vector.shape_cast %mul3A_1297 : vector<1x256xf32> to vector<1x1x256xf32>
      %reduce_sum3A_1299 = arith.constant dense<0.000000e+00> : vector<1xf32>
      %reduce_sum3A_1300 = vector.multi_reduction <add>, %reduce_sum3A_1298, %reduce_sum3A_1299 [1, 2] : vector<1x1x256xf32> to vector<1xf32>
      %reduce_sum3A_1301 = vector.shape_cast %reduce_sum3A_1300 : vector<1xf32> to vector<1x1x1xf32>
      %reduce_sum3A_1302 = vector.extract %reduce_sum3A_1301[0, 0, 0] : f32 from vector<1x1x1xf32>
      %get3A_1303 = arith.index_cast %scan3A_1291 : i32 to index
      %get3A_1304 = arith.constant 0 : index
      %get3A_1305 = vector.load %arg7[%get3A_1303, %get3A_1304] : memref<256x256xf32, #tpu.memory_space<vmem>>, vector<1x256xf32>
      %gt3A_1306 = vector.broadcast %scan3A_1291 : i32 to vector<1x256xi32>
      %gt3A_1307 = arith.cmpi sgt, %iota3A_214, %gt3A_1306 : vector<1x256xi32>
      %convert_element_type3A_1308 = arith.extui %gt3A_1307 : vector<1x256xi1> to vector<1x256xi32>
      %convert_element_type3A_1309 = arith.sitofp %convert_element_type3A_1308 : vector<1x256xi32> to vector<1x256xf32>
      %mul3A_1310 = vector.broadcast %reduce_sum3A_1302 : f32 to vector<1x256xf32>
      %mul3A_1311 = arith.mulf %mul3A_1310, %get3A_1305 : vector<1x256xf32>
      %mul3A_1312 = arith.mulf %mul3A_1311, %convert_element_type3A_1309 : vector<1x256xf32>
      %sub3A_1313 = arith.constant 1.000000e+00 : f32
      %sub3A_1314 = vector.broadcast %sub3A_1313 : f32 to vector<1x256xf32>
      %sub3A_1315 = arith.subf %sub3A_1314, %mul3A_1312 : vector<1x256xf32>
      %mul3A_1316 = arith.mulf %scan3A_1292, %sub3A_1315 : vector<1x256xf32>
      scf.yield %mul3A_1316 : vector<1x256xf32>
    }
    %scan3A_615 = arith.constant 256 : i32
    %dot_general3A_616 = arith.constant dense<0.000000e+00> : vector<1x2048xf32>
    %dot_general3A_617 = tpu.matmul %scan3A_614, %convert_element_type3A_604, %dot_general3A_616 {dimension_numbers = #tpu.dot_dimension_numbers<[1], [0], [0], [1], [0, 0, 1, 1], [], []>, transpose_lhs_hint = false} : vector<1x256xf32>, vector<256x2048xf32>, vector<1x2048xf32> -> vector<1x2048xf32>
    %gt3A_618 = arith.constant 5.000000e-01 : f32
    %gt3A_619 = vector.broadcast %gt3A_618 : f32 to vector<1x2048xf32>
    %gt3A_620 = arith.cmpf ogt, %dot_general3A_617, %gt3A_619 : vector<1x2048xf32>
    %ge3A_621 = arith.constant 1536 : i32
    %ge3A_622 = vector.broadcast %ge3A_621 : i32 to vector<1x2048xi32>
    %ge3A_623 = arith.cmpi sge, %iota3A, %ge3A_622 : vector<1x2048xi32>
    %and3A_624 = arith.andi %gt3A_620, %ge3A_623 : vector<1x2048xi1>
    %convert_element_type3A_625 = arith.extui %and3A_624 : vector<1x2048xi1> to vector<1x2048xi32>
    %convert_element_type3A_626 = arith.sitofp %convert_element_type3A_625 : vector<1x2048xi32> to vector<1x2048xf32>
    %sub3A_627 = arith.constant 1.000000e+00 : f32
    %sub3A_628 = vector.broadcast %sub3A_627 : f32 to vector<1x2048xf32>
    %sub3A_629 = arith.subf %sub3A_628, %convert_element_type3A_626 : vector<1x2048xf32>
    %mul3A_630 = arith.mulf %concatenate3A_562, %sub3A_629 : vector<1x2048xf32>
    %slice3A_631 = vector.extract_strided_slice %mul3A_630 {offsets = [0, 0], sizes = [1, 1280], strides = [1, 1]} : vector<1x2048xf32> to vector<1x1280xf32>
    %slice3A_632 = vector.extract_strided_slice %mul3A_630 {offsets = [0, 1536], sizes = [1, 512], strides = [1, 1]} : vector<1x2048xf32> to vector<1x512xf32>
    %concatenate3A_633 = tpu.concatenate %slice3A_631, %scan3A_614, %slice3A_632 in 1 : vector<1x1280xf32>, vector<1x256xf32>, vector<1x512xf32> -> vector<1x2048xf32>
    %slice3A_634 = vector.extract_strided_slice %min3A_160 {offsets = [1536, 0], sizes = [256, 1], strides = [1, 1]} : vector<2048x1xf32> to vector<256x1xf32>
    %max3A_635 = vector.broadcast %slice3A_634 : vector<256x1xf32> to vector<256x2048xf32>
    %max3A_636 = vector.broadcast %min3A_76 : vector<1x2048xf32> to vector<256x2048xf32>
    %max3A_637 = arith.maximumf %max3A_635, %max3A_636 : vector<256x2048xf32>
    %slice3A_638 = vector.extract_strided_slice %min3A_166 {offsets = [1536, 0], sizes = [256, 1], strides = [1, 1]} : vector<2048x1xf32> to vector<256x1xf32>
    %max3A_639 = vector.broadcast %slice3A_638 : vector<256x1xf32> to vector<256x2048xf32>
    %max3A_640 = vector.broadcast %min3A_82 : vector<1x2048xf32> to vector<256x2048xf32>
    %max3A_641 = arith.maximumf %max3A_639, %max3A_640 : vector<256x2048xf32>
    %slice3A_642 = vector.extract_strided_slice %min3A_172 {offsets = [1536, 0], sizes = [256, 1], strides = [1, 1]} : vector<2048x1xf32> to vector<256x1xf32>
    %min3A_643 = vector.broadcast %slice3A_642 : vector<256x1xf32> to vector<256x2048xf32>
    %min3A_644 = vector.broadcast %min3A_88 : vector<1x2048xf32> to vector<256x2048xf32>
    %min3A_645 = arith.minimumf %min3A_643, %min3A_644 : vector<256x2048xf32>
    %slice3A_646 = vector.extract_strided_slice %min3A_178 {offsets = [1536, 0], sizes = [256, 1], strides = [1, 1]} : vector<2048x1xf32> to vector<256x1xf32>
    %min3A_647 = vector.broadcast %slice3A_646 : vector<256x1xf32> to vector<256x2048xf32>
    %min3A_648 = vector.broadcast %min3A_94 : vector<1x2048xf32> to vector<256x2048xf32>
    %min3A_649 = arith.minimumf %min3A_647, %min3A_648 : vector<256x2048xf32>
    %sub3A_650 = arith.subf %min3A_645, %max3A_637 : vector<256x2048xf32>
    %add3A_651 = arith.constant 1.000000e+00 : f32
    %add3A_652 = vector.broadcast %add3A_651 : f32 to vector<256x2048xf32>
    %add3A_653 = arith.addf %sub3A_650, %add3A_652 : vector<256x2048xf32>
    %max3A_654 = arith.constant 0.000000e+00 : f32
    %max3A_655 = vector.broadcast %max3A_654 : f32 to vector<256x2048xf32>
    %max3A_656 = arith.maximumf %add3A_653, %max3A_655 : vector<256x2048xf32>
    %sub3A_657 = arith.subf %min3A_649, %max3A_641 : vector<256x2048xf32>
    %add3A_658 = arith.constant 1.000000e+00 : f32
    %add3A_659 = vector.broadcast %add3A_658 : f32 to vector<256x2048xf32>
    %add3A_660 = arith.addf %sub3A_657, %add3A_659 : vector<256x2048xf32>
    %max3A_661 = arith.constant 0.000000e+00 : f32
    %max3A_662 = vector.broadcast %max3A_661 : f32 to vector<256x2048xf32>
    %max3A_663 = arith.maximumf %add3A_660, %max3A_662 : vector<256x2048xf32>
    %mul3A_664 = arith.mulf %max3A_656, %max3A_663 : vector<256x2048xf32>
    %slice3A_665 = vector.extract_strided_slice %mul3A_196 {offsets = [1536, 0], sizes = [256, 1], strides = [1, 1]} : vector<2048x1xf32> to vector<256x1xf32>
    %add3A_666 = vector.broadcast %slice3A_665 : vector<256x1xf32> to vector<256x2048xf32>
    %add3A_667 = vector.broadcast %mul3A_187 : vector<1x2048xf32> to vector<256x2048xf32>
    %add3A_668 = arith.addf %add3A_666, %add3A_667 : vector<256x2048xf32>
    %sub3A_669 = arith.subf %add3A_668, %mul3A_664 : vector<256x2048xf32>
    %div3A_670 = arith.divf %mul3A_664, %sub3A_669 : vector<256x2048xf32>
    %gt3A_671 = arith.constant 0.699999988 : f32
    %gt3A_672 = vector.broadcast %gt3A_671 : f32 to vector<256x2048xf32>
    %gt3A_673 = arith.cmpf ogt, %div3A_670, %gt3A_672 : vector<256x2048xf32>
    %convert_element_type3A_674 = arith.extui %gt3A_673 : vector<256x2048xi1> to vector<256x2048xi32>
    %convert_element_type3A_675 = arith.sitofp %convert_element_type3A_674 : vector<256x2048xi32> to vector<256x2048xf32>
    %slice3A_676 = vector.extract_strided_slice %convert_element_type3A_675 {offsets = [0, 1536], sizes = [256, 256], strides = [1, 1]} : vector<256x2048xf32> to vector<256x256xf32>
    %swap3A_677 = arith.constant 0 : index
    %swap3A_678 = arith.constant 0 : index
    %swap3A_679 = vector.load %arg7[%swap3A_677, %swap3A_678] : memref<256x256xf32, #tpu.memory_space<vmem>>, vector<256x256xf32>
    tpu.vector_store %arg7[%swap3A_677, %swap3A_678], %slice3A_676 {strides = array<i32>} : memref<256x256xf32, #tpu.memory_space<vmem>>, vector<256x256xf32>,
    %slice3A_680 = vector.extract_strided_slice %concatenate3A_633 {offsets = [0, 1536], sizes = [1, 256], strides = [1, 1]} : vector<1x2048xf32> to vector<1x256xf32>
    %scan3A_681 = arith.constant 0 : i32
    %scan3A_682 = arith.constant 256 : i32
    %scan3A_683 = arith.addi %scan3A_681, %scan3A_682 : i32
    %scan3A_684 = arith.constant 1 : i32
    %scan3A_685 = scf.for %scan3A_1291 = %scan3A_681 to %scan3A_683 step %scan3A_684 iter_args(%scan3A_1292 = %slice3A_680) -> (vector<1x256xf32>)  : i32 {
      %eq3A_1293 = vector.broadcast %scan3A_1291 : i32 to vector<1x256xi32>
      %eq3A_1294 = arith.cmpi eq, %iota3A_214, %eq3A_1293 : vector<1x256xi32>
      %convert_element_type3A_1295 = arith.extui %eq3A_1294 : vector<1x256xi1> to vector<1x256xi32>
      %convert_element_type3A_1296 = arith.sitofp %convert_element_type3A_1295 : vector<1x256xi32> to vector<1x256xf32>
      %mul3A_1297 = arith.mulf %scan3A_1292, %convert_element_type3A_1296 : vector<1x256xf32>
      %reduce_sum3A_1298 = vector.shape_cast %mul3A_1297 : vector<1x256xf32> to vector<1x1x256xf32>
      %reduce_sum3A_1299 = arith.constant dense<0.000000e+00> : vector<1xf32>
      %reduce_sum3A_1300 = vector.multi_reduction <add>, %reduce_sum3A_1298, %reduce_sum3A_1299 [1, 2] : vector<1x1x256xf32> to vector<1xf32>
      %reduce_sum3A_1301 = vector.shape_cast %reduce_sum3A_1300 : vector<1xf32> to vector<1x1x1xf32>
      %reduce_sum3A_1302 = vector.extract %reduce_sum3A_1301[0, 0, 0] : f32 from vector<1x1x1xf32>
      %get3A_1303 = arith.index_cast %scan3A_1291 : i32 to index
      %get3A_1304 = arith.constant 0 : index
      %get3A_1305 = vector.load %arg7[%get3A_1303, %get3A_1304] : memref<256x256xf32, #tpu.memory_space<vmem>>, vector<1x256xf32>
      %gt3A_1306 = vector.broadcast %scan3A_1291 : i32 to vector<1x256xi32>
      %gt3A_1307 = arith.cmpi sgt, %iota3A_214, %gt3A_1306 : vector<1x256xi32>
      %convert_element_type3A_1308 = arith.extui %gt3A_1307 : vector<1x256xi1> to vector<1x256xi32>
      %convert_element_type3A_1309 = arith.sitofp %convert_element_type3A_1308 : vector<1x256xi32> to vector<1x256xf32>
      %mul3A_1310 = vector.broadcast %reduce_sum3A_1302 : f32 to vector<1x256xf32>
      %mul3A_1311 = arith.mulf %mul3A_1310, %get3A_1305 : vector<1x256xf32>
      %mul3A_1312 = arith.mulf %mul3A_1311, %convert_element_type3A_1309 : vector<1x256xf32>
      %sub3A_1313 = arith.constant 1.000000e+00 : f32
      %sub3A_1314 = vector.broadcast %sub3A_1313 : f32 to vector<1x256xf32>
      %sub3A_1315 = arith.subf %sub3A_1314, %mul3A_1312 : vector<1x256xf32>
      %mul3A_1316 = arith.mulf %scan3A_1292, %sub3A_1315 : vector<1x256xf32>
      scf.yield %mul3A_1316 : vector<1x256xf32>
    }
    %scan3A_686 = arith.constant 256 : i32
    %dot_general3A_687 = arith.constant dense<0.000000e+00> : vector<1x2048xf32>
    %dot_general3A_688 = tpu.matmul %scan3A_685, %convert_element_type3A_675, %dot_general3A_687 {dimension_numbers = #tpu.dot_dimension_numbers<[1], [0], [0], [1], [0, 0, 1, 1], [], []>, transpose_lhs_hint = false} : vector<1x256xf32>, vector<256x2048xf32>, vector<1x2048xf32> -> vector<1x2048xf32>
    %gt3A_689 = arith.constant 5.000000e-01 : f32
    %gt3A_690 = vector.broadcast %gt3A_689 : f32 to vector<1x2048xf32>
    %gt3A_691 = arith.cmpf ogt, %dot_general3A_688, %gt3A_690 : vector<1x2048xf32>
    %ge3A_692 = arith.constant 1792 : i32
    %ge3A_693 = vector.broadcast %ge3A_692 : i32 to vector<1x2048xi32>
    %ge3A_694 = arith.cmpi sge, %iota3A, %ge3A_693 : vector<1x2048xi32>
    %and3A_695 = arith.andi %gt3A_691, %ge3A_694 : vector<1x2048xi1>
    %convert_element_type3A_696 = arith.extui %and3A_695 : vector<1x2048xi1> to vector<1x2048xi32>
    %convert_element_type3A_697 = arith.sitofp %convert_element_type3A_696 : vector<1x2048xi32> to vector<1x2048xf32>
    %sub3A_698 = arith.constant 1.000000e+00 : f32
    %sub3A_699 = vector.broadcast %sub3A_698 : f32 to vector<1x2048xf32>
    %sub3A_700 = arith.subf %sub3A_699, %convert_element_type3A_697 : vector<1x2048xf32>
    %mul3A_701 = arith.mulf %concatenate3A_633, %sub3A_700 : vector<1x2048xf32>
    %slice3A_702 = vector.extract_strided_slice %mul3A_701 {offsets = [0, 0], sizes = [1, 1536], strides = [1, 1]} : vector<1x2048xf32> to vector<1x1536xf32>
    %slice3A_703 = vector.extract_strided_slice %mul3A_701 {offsets = [0, 1792], sizes = [1, 256], strides = [1, 1]} : vector<1x2048xf32> to vector<1x256xf32>
    %concatenate3A_704 = tpu.concatenate %slice3A_702, %scan3A_685, %slice3A_703 in 1 : vector<1x1536xf32>, vector<1x256xf32>, vector<1x256xf32> -> vector<1x2048xf32>
    %slice3A_705 = vector.extract_strided_slice %min3A_160 {offsets = [1792, 0], sizes = [256, 1], strides = [1, 1]} : vector<2048x1xf32> to vector<256x1xf32>
    %max3A_706 = vector.broadcast %slice3A_705 : vector<256x1xf32> to vector<256x2048xf32>
    %max3A_707 = vector.broadcast %min3A_76 : vector<1x2048xf32> to vector<256x2048xf32>
    %max3A_708 = arith.maximumf %max3A_706, %max3A_707 : vector<256x2048xf32>
    %slice3A_709 = vector.extract_strided_slice %min3A_166 {offsets = [1792, 0], sizes = [256, 1], strides = [1, 1]} : vector<2048x1xf32> to vector<256x1xf32>
    %max3A_710 = vector.broadcast %slice3A_709 : vector<256x1xf32> to vector<256x2048xf32>
    %max3A_711 = vector.broadcast %min3A_82 : vector<1x2048xf32> to vector<256x2048xf32>
    %max3A_712 = arith.maximumf %max3A_710, %max3A_711 : vector<256x2048xf32>
    %slice3A_713 = vector.extract_strided_slice %min3A_172 {offsets = [1792, 0], sizes = [256, 1], strides = [1, 1]} : vector<2048x1xf32> to vector<256x1xf32>
    %min3A_714 = vector.broadcast %slice3A_713 : vector<256x1xf32> to vector<256x2048xf32>
    %min3A_715 = vector.broadcast %min3A_88 : vector<1x2048xf32> to vector<256x2048xf32>
    %min3A_716 = arith.minimumf %min3A_714, %min3A_715 : vector<256x2048xf32>
    %slice3A_717 = vector.extract_strided_slice %min3A_178 {offsets = [1792, 0], sizes = [256, 1], strides = [1, 1]} : vector<2048x1xf32> to vector<256x1xf32>
    %min3A_718 = vector.broadcast %slice3A_717 : vector<256x1xf32> to vector<256x2048xf32>
    %min3A_719 = vector.broadcast %min3A_94 : vector<1x2048xf32> to vector<256x2048xf32>
    %min3A_720 = arith.minimumf %min3A_718, %min3A_719 : vector<256x2048xf32>
    %sub3A_721 = arith.subf %min3A_716, %max3A_708 : vector<256x2048xf32>
    %add3A_722 = arith.constant 1.000000e+00 : f32
    %add3A_723 = vector.broadcast %add3A_722 : f32 to vector<256x2048xf32>
    %add3A_724 = arith.addf %sub3A_721, %add3A_723 : vector<256x2048xf32>
    %max3A_725 = arith.constant 0.000000e+00 : f32
    %max3A_726 = vector.broadcast %max3A_725 : f32 to vector<256x2048xf32>
    %max3A_727 = arith.maximumf %add3A_724, %max3A_726 : vector<256x2048xf32>
    %sub3A_728 = arith.subf %min3A_720, %max3A_712 : vector<256x2048xf32>
    %add3A_729 = arith.constant 1.000000e+00 : f32
    %add3A_730 = vector.broadcast %add3A_729 : f32 to vector<256x2048xf32>
    %add3A_731 = arith.addf %sub3A_728, %add3A_730 : vector<256x2048xf32>
    %max3A_732 = arith.constant 0.000000e+00 : f32
    %max3A_733 = vector.broadcast %max3A_732 : f32 to vector<256x2048xf32>
    %max3A_734 = arith.maximumf %add3A_731, %max3A_733 : vector<256x2048xf32>
    %mul3A_735 = arith.mulf %max3A_727, %max3A_734 : vector<256x2048xf32>
    %slice3A_736 = vector.extract_strided_slice %mul3A_196 {offsets = [1792, 0], sizes = [256, 1], strides = [1, 1]} : vector<2048x1xf32> to vector<256x1xf32>
    %add3A_737 = vector.broadcast %slice3A_736 : vector<256x1xf32> to vector<256x2048xf32>
    %add3A_738 = vector.broadcast %mul3A_187 : vector<1x2048xf32> to vector<256x2048xf32>
    %add3A_739 = arith.addf %add3A_737, %add3A_738 : vector<256x2048xf32>
    %sub3A_740 = arith.subf %add3A_739, %mul3A_735 : vector<256x2048xf32>
    %div3A_741 = arith.divf %mul3A_735, %sub3A_740 : vector<256x2048xf32>
    %gt3A_742 = arith.constant 0.699999988 : f32
    %gt3A_743 = vector.broadcast %gt3A_742 : f32 to vector<256x2048xf32>
    %gt3A_744 = arith.cmpf ogt, %div3A_741, %gt3A_743 : vector<256x2048xf32>
    %convert_element_type3A_745 = arith.extui %gt3A_744 : vector<256x2048xi1> to vector<256x2048xi32>
    %convert_element_type3A_746 = arith.sitofp %convert_element_type3A_745 : vector<256x2048xi32> to vector<256x2048xf32>
    %slice3A_747 = vector.extract_strided_slice %convert_element_type3A_746 {offsets = [0, 1792], sizes = [256, 256], strides = [1, 1]} : vector<256x2048xf32> to vector<256x256xf32>
    %swap3A_748 = arith.constant 0 : index
    %swap3A_749 = arith.constant 0 : index
    %swap3A_750 = vector.load %arg7[%swap3A_748, %swap3A_749] : memref<256x256xf32, #tpu.memory_space<vmem>>, vector<256x256xf32>
    tpu.vector_store %arg7[%swap3A_748, %swap3A_749], %slice3A_747 {strides = array<i32>} : memref<256x256xf32, #tpu.memory_space<vmem>>, vector<256x256xf32>,
    %slice3A_751 = vector.extract_strided_slice %concatenate3A_704 {offsets = [0, 1792], sizes = [1, 256], strides = [1, 1]} : vector<1x2048xf32> to vector<1x256xf32>
    %scan3A_752 = arith.constant 0 : i32
    %scan3A_753 = arith.constant 256 : i32
    %scan3A_754 = arith.addi %scan3A_752, %scan3A_753 : i32
    %scan3A_755 = arith.constant 1 : i32
    %scan3A_756 = scf.for %scan3A_1291 = %scan3A_752 to %scan3A_754 step %scan3A_755 iter_args(%scan3A_1292 = %slice3A_751) -> (vector<1x256xf32>)  : i32 {
      %eq3A_1293 = vector.broadcast %scan3A_1291 : i32 to vector<1x256xi32>
      %eq3A_1294 = arith.cmpi eq, %iota3A_214, %eq3A_1293 : vector<1x256xi32>
      %convert_element_type3A_1295 = arith.extui %eq3A_1294 : vector<1x256xi1> to vector<1x256xi32>
      %convert_element_type3A_1296 = arith.sitofp %convert_element_type3A_1295 : vector<1x256xi32> to vector<1x256xf32>
      %mul3A_1297 = arith.mulf %scan3A_1292, %convert_element_type3A_1296 : vector<1x256xf32>
      %reduce_sum3A_1298 = vector.shape_cast %mul3A_1297 : vector<1x256xf32> to vector<1x1x256xf32>
      %reduce_sum3A_1299 = arith.constant dense<0.000000e+00> : vector<1xf32>
      %reduce_sum3A_1300 = vector.multi_reduction <add>, %reduce_sum3A_1298, %reduce_sum3A_1299 [1, 2] : vector<1x1x256xf32> to vector<1xf32>
      %reduce_sum3A_1301 = vector.shape_cast %reduce_sum3A_1300 : vector<1xf32> to vector<1x1x1xf32>
      %reduce_sum3A_1302 = vector.extract %reduce_sum3A_1301[0, 0, 0] : f32 from vector<1x1x1xf32>
      %get3A_1303 = arith.index_cast %scan3A_1291 : i32 to index
      %get3A_1304 = arith.constant 0 : index
      %get3A_1305 = vector.load %arg7[%get3A_1303, %get3A_1304] : memref<256x256xf32, #tpu.memory_space<vmem>>, vector<1x256xf32>
      %gt3A_1306 = vector.broadcast %scan3A_1291 : i32 to vector<1x256xi32>
      %gt3A_1307 = arith.cmpi sgt, %iota3A_214, %gt3A_1306 : vector<1x256xi32>
      %convert_element_type3A_1308 = arith.extui %gt3A_1307 : vector<1x256xi1> to vector<1x256xi32>
      %convert_element_type3A_1309 = arith.sitofp %convert_element_type3A_1308 : vector<1x256xi32> to vector<1x256xf32>
      %mul3A_1310 = vector.broadcast %reduce_sum3A_1302 : f32 to vector<1x256xf32>
      %mul3A_1311 = arith.mulf %mul3A_1310, %get3A_1305 : vector<1x256xf32>
      %mul3A_1312 = arith.mulf %mul3A_1311, %convert_element_type3A_1309 : vector<1x256xf32>
      %sub3A_1313 = arith.constant 1.000000e+00 : f32
      %sub3A_1314 = vector.broadcast %sub3A_1313 : f32 to vector<1x256xf32>
      %sub3A_1315 = arith.subf %sub3A_1314, %mul3A_1312 : vector<1x256xf32>
      %mul3A_1316 = arith.mulf %scan3A_1292, %sub3A_1315 : vector<1x256xf32>
      scf.yield %mul3A_1316 : vector<1x256xf32>
    }
    %scan3A_757 = arith.constant 256 : i32
    %dot_general3A_758 = arith.constant dense<0.000000e+00> : vector<1x2048xf32>
    %dot_general3A_759 = tpu.matmul %scan3A_756, %convert_element_type3A_746, %dot_general3A_758 {dimension_numbers = #tpu.dot_dimension_numbers<[1], [0], [0], [1], [0, 0, 1, 1], [], []>, transpose_lhs_hint = false} : vector<1x256xf32>, vector<256x2048xf32>, vector<1x2048xf32> -> vector<1x2048xf32>
    %gt3A_760 = arith.constant 5.000000e-01 : f32
    %gt3A_761 = vector.broadcast %gt3A_760 : f32 to vector<1x2048xf32>
    %gt3A_762 = arith.cmpf ogt, %dot_general3A_759, %gt3A_761 : vector<1x2048xf32>
    %ge3A_763 = arith.constant 2048 : i32
    %ge3A_764 = vector.broadcast %ge3A_763 : i32 to vector<1x2048xi32>
    %ge3A_765 = arith.cmpi sge, %iota3A, %ge3A_764 : vector<1x2048xi32>
    %and3A_766 = arith.andi %gt3A_762, %ge3A_765 : vector<1x2048xi1>
    %convert_element_type3A_767 = arith.extui %and3A_766 : vector<1x2048xi1> to vector<1x2048xi32>
    %convert_element_type3A_768 = arith.sitofp %convert_element_type3A_767 : vector<1x2048xi32> to vector<1x2048xf32>
    %sub3A_769 = arith.constant 1.000000e+00 : f32
    %sub3A_770 = vector.broadcast %sub3A_769 : f32 to vector<1x2048xf32>
    %sub3A_771 = arith.subf %sub3A_770, %convert_element_type3A_768 : vector<1x2048xf32>
    %mul3A_772 = arith.mulf %concatenate3A_704, %sub3A_771 : vector<1x2048xf32>
    %slice3A_773 = vector.extract_strided_slice %mul3A_772 {offsets = [0, 0], sizes = [1, 1792], strides = [1, 1]} : vector<1x2048xf32> to vector<1x1792xf32>
    %concatenate3A_774 = tpu.concatenate %slice3A_773, %scan3A_756 in 1 : vector<1x1792xf32>, vector<1x256xf32> -> vector<1x2048xf32>
    %get3A_775 = arith.constant 0 : index
    %get3A_776 = arith.constant 0 : index
    %get3A_777 = arith.constant 0 : index
    %get3A_778 = vector.load %arg5[%get3A_775, %get3A_776, %get3A_777] : memref<1x1x2048xf32, #tpu.memory_space<vmem>>, vector<1x1x2048xf32>
    %get3A_779 = vector.shape_cast %get3A_778 : vector<1x1x2048xf32> to vector<1x2048xf32>
    %lt3A_780 = arith.constant 2000 : i32
    %lt3A_781 = vector.broadcast %lt3A_780 : i32 to vector<1x2048xi32>
    %lt3A_782 = arith.cmpi slt, %iota3A, %lt3A_781 : vector<1x2048xi32>
    %convert_element_type3A_783 = arith.extui %lt3A_782 : vector<1x2048xi1> to vector<1x2048xi32>
    %convert_element_type3A_784 = arith.sitofp %convert_element_type3A_783 : vector<1x2048xi32> to vector<1x2048xf32>
    %sub3A_785 = arith.constant 1.000000e+00 : f32
    %sub3A_786 = vector.broadcast %sub3A_785 : f32 to vector<1x2048xf32>
    %sub3A_787 = arith.subf %sub3A_786, %concatenate3A_774 : vector<1x2048xf32>
    %mul3A_788 = arith.mulf %sub3A_787, %convert_element_type3A_784 : vector<1x2048xf32>
    %iota3A_789 = tpu.iota {dimensions = array<i32: 0>} : vector<256x256xi32>
    %iota3A_790 = tpu.iota {dimensions = array<i32: 1>} : vector<256x256xi32>
    %le3A = arith.cmpi sle, %iota3A_789, %iota3A_790 : vector<256x256xi32>
    %convert_element_type3A_791 = arith.extui %le3A : vector<256x256xi1> to vector<256x256xi32>
    %convert_element_type3A_792 = arith.sitofp %convert_element_type3A_791 : vector<256x256xi32> to vector<256x256xf32>
    %slice3A_793 = vector.extract_strided_slice %concatenate3A_774 {offsets = [0, 0], sizes = [1, 256], strides = [1, 1]} : vector<1x2048xf32> to vector<1x256xf32>
    %slice3A_794 = vector.extract_strided_slice %mul3A_788 {offsets = [0, 0], sizes = [1, 256], strides = [1, 1]} : vector<1x2048xf32> to vector<1x256xf32>
    %dot_general3A_795 = arith.constant dense<0.000000e+00> : vector<1x256xf32>
    %dot_general3A_796 = tpu.matmul %slice3A_793, %convert_element_type3A_792, %dot_general3A_795 {dimension_numbers = #tpu.dot_dimension_numbers<[1], [0], [0], [1], [0, 0, 1, 1], [], []>, transpose_lhs_hint = false} : vector<1x256xf32>, vector<256x256xf32>, vector<1x256xf32> -> vector<1x256xf32>
    %add3A_797 = arith.constant 0.000000e+00 : f32
    %add3A_798 = vector.broadcast %add3A_797 : f32 to vector<1x256xf32>
    %add3A_799 = arith.addf %add3A_798, %dot_general3A_796 : vector<1x256xf32>
    %dot_general3A_800 = arith.constant dense<0.000000e+00> : vector<1x256xf32>
    %dot_general3A_801 = tpu.matmul %slice3A_794, %convert_element_type3A_792, %dot_general3A_800 {dimension_numbers = #tpu.dot_dimension_numbers<[1], [0], [0], [1], [0, 0, 1, 1], [], []>, transpose_lhs_hint = false} : vector<1x256xf32>, vector<256x256xf32>, vector<1x256xf32> -> vector<1x256xf32>
    %add3A_802 = arith.constant 0.000000e+00 : f32
    %add3A_803 = vector.broadcast %add3A_802 : f32 to vector<1x256xf32>
    %add3A_804 = arith.addf %add3A_803, %dot_general3A_801 : vector<1x256xf32>
    %reduce_sum3A = vector.shape_cast %slice3A_793 : vector<1x256xf32> to vector<1x1x256xf32>
    %reduce_sum3A_805 = arith.constant dense<0.000000e+00> : vector<1xf32>
    %reduce_sum3A_806 = vector.multi_reduction <add>, %reduce_sum3A, %reduce_sum3A_805 [1, 2] : vector<1x1x256xf32> to vector<1xf32>
    %reduce_sum3A_807 = vector.shape_cast %reduce_sum3A_806 : vector<1xf32> to vector<1x1x1xf32>
    %reduce_sum3A_808 = vector.extract %reduce_sum3A_807[0, 0, 0] : f32 from vector<1x1x1xf32>
    %add3A_809 = arith.constant 0.000000e+00 : f32
    %add3A_810 = arith.addf %add3A_809, %reduce_sum3A_808 : f32
    %reduce_sum3A_811 = vector.shape_cast %slice3A_794 : vector<1x256xf32> to vector<1x1x256xf32>
    %reduce_sum3A_812 = arith.constant dense<0.000000e+00> : vector<1xf32>
    %reduce_sum3A_813 = vector.multi_reduction <add>, %reduce_sum3A_811, %reduce_sum3A_812 [1, 2] : vector<1x1x256xf32> to vector<1xf32>
    %reduce_sum3A_814 = vector.shape_cast %reduce_sum3A_813 : vector<1xf32> to vector<1x1x1xf32>
    %reduce_sum3A_815 = vector.extract %reduce_sum3A_814[0, 0, 0] : f32 from vector<1x1x1xf32>
    %add3A_816 = arith.constant 0.000000e+00 : f32
    %add3A_817 = arith.addf %add3A_816, %reduce_sum3A_815 : f32
    %slice3A_818 = vector.extract_strided_slice %concatenate3A_774 {offsets = [0, 256], sizes = [1, 256], strides = [1, 1]} : vector<1x2048xf32> to vector<1x256xf32>
    %slice3A_819 = vector.extract_strided_slice %mul3A_788 {offsets = [0, 256], sizes = [1, 256], strides = [1, 1]} : vector<1x2048xf32> to vector<1x256xf32>
    %dot_general3A_820 = arith.constant dense<0.000000e+00> : vector<1x256xf32>
    %dot_general3A_821 = tpu.matmul %slice3A_818, %convert_element_type3A_792, %dot_general3A_820 {dimension_numbers = #tpu.dot_dimension_numbers<[1], [0], [0], [1], [0, 0, 1, 1], [], []>, transpose_lhs_hint = false} : vector<1x256xf32>, vector<256x256xf32>, vector<1x256xf32> -> vector<1x256xf32>
    %add3A_822 = vector.broadcast %add3A_810 : f32 to vector<1x256xf32>
    %add3A_823 = arith.addf %add3A_822, %dot_general3A_821 : vector<1x256xf32>
    %dot_general3A_824 = arith.constant dense<0.000000e+00> : vector<1x256xf32>
    %dot_general3A_825 = tpu.matmul %slice3A_819, %convert_element_type3A_792, %dot_general3A_824 {dimension_numbers = #tpu.dot_dimension_numbers<[1], [0], [0], [1], [0, 0, 1, 1], [], []>, transpose_lhs_hint = false} : vector<1x256xf32>, vector<256x256xf32>, vector<1x256xf32> -> vector<1x256xf32>
    %add3A_826 = vector.broadcast %add3A_817 : f32 to vector<1x256xf32>
    %add3A_827 = arith.addf %add3A_826, %dot_general3A_825 : vector<1x256xf32>
    %reduce_sum3A_828 = vector.shape_cast %slice3A_818 : vector<1x256xf32> to vector<1x1x256xf32>
    %reduce_sum3A_829 = arith.constant dense<0.000000e+00> : vector<1xf32>
    %reduce_sum3A_830 = vector.multi_reduction <add>, %reduce_sum3A_828, %reduce_sum3A_829 [1, 2] : vector<1x1x256xf32> to vector<1xf32>
    %reduce_sum3A_831 = vector.shape_cast %reduce_sum3A_830 : vector<1xf32> to vector<1x1x1xf32>
    %reduce_sum3A_832 = vector.extract %reduce_sum3A_831[0, 0, 0] : f32 from vector<1x1x1xf32>
    %add3A_833 = arith.addf %add3A_810, %reduce_sum3A_832 : f32
    %reduce_sum3A_834 = vector.shape_cast %slice3A_819 : vector<1x256xf32> to vector<1x1x256xf32>
    %reduce_sum3A_835 = arith.constant dense<0.000000e+00> : vector<1xf32>
    %reduce_sum3A_836 = vector.multi_reduction <add>, %reduce_sum3A_834, %reduce_sum3A_835 [1, 2] : vector<1x1x256xf32> to vector<1xf32>
    %reduce_sum3A_837 = vector.shape_cast %reduce_sum3A_836 : vector<1xf32> to vector<1x1x1xf32>
    %reduce_sum3A_838 = vector.extract %reduce_sum3A_837[0, 0, 0] : f32 from vector<1x1x1xf32>
    %add3A_839 = arith.addf %add3A_817, %reduce_sum3A_838 : f32
    %slice3A_840 = vector.extract_strided_slice %concatenate3A_774 {offsets = [0, 512], sizes = [1, 256], strides = [1, 1]} : vector<1x2048xf32> to vector<1x256xf32>
    %slice3A_841 = vector.extract_strided_slice %mul3A_788 {offsets = [0, 512], sizes = [1, 256], strides = [1, 1]} : vector<1x2048xf32> to vector<1x256xf32>
    %dot_general3A_842 = arith.constant dense<0.000000e+00> : vector<1x256xf32>
    %dot_general3A_843 = tpu.matmul %slice3A_840, %convert_element_type3A_792, %dot_general3A_842 {dimension_numbers = #tpu.dot_dimension_numbers<[1], [0], [0], [1], [0, 0, 1, 1], [], []>, transpose_lhs_hint = false} : vector<1x256xf32>, vector<256x256xf32>, vector<1x256xf32> -> vector<1x256xf32>
    %add3A_844 = vector.broadcast %add3A_833 : f32 to vector<1x256xf32>
    %add3A_845 = arith.addf %add3A_844, %dot_general3A_843 : vector<1x256xf32>
    %dot_general3A_846 = arith.constant dense<0.000000e+00> : vector<1x256xf32>
    %dot_general3A_847 = tpu.matmul %slice3A_841, %convert_element_type3A_792, %dot_general3A_846 {dimension_numbers = #tpu.dot_dimension_numbers<[1], [0], [0], [1], [0, 0, 1, 1], [], []>, transpose_lhs_hint = false} : vector<1x256xf32>, vector<256x256xf32>, vector<1x256xf32> -> vector<1x256xf32>
    %add3A_848 = vector.broadcast %add3A_839 : f32 to vector<1x256xf32>
    %add3A_849 = arith.addf %add3A_848, %dot_general3A_847 : vector<1x256xf32>
    %reduce_sum3A_850 = vector.shape_cast %slice3A_840 : vector<1x256xf32> to vector<1x1x256xf32>
    %reduce_sum3A_851 = arith.constant dense<0.000000e+00> : vector<1xf32>
    %reduce_sum3A_852 = vector.multi_reduction <add>, %reduce_sum3A_850, %reduce_sum3A_851 [1, 2] : vector<1x1x256xf32> to vector<1xf32>
    %reduce_sum3A_853 = vector.shape_cast %reduce_sum3A_852 : vector<1xf32> to vector<1x1x1xf32>
    %reduce_sum3A_854 = vector.extract %reduce_sum3A_853[0, 0, 0] : f32 from vector<1x1x1xf32>
    %add3A_855 = arith.addf %add3A_833, %reduce_sum3A_854 : f32
    %reduce_sum3A_856 = vector.shape_cast %slice3A_841 : vector<1x256xf32> to vector<1x1x256xf32>
    %reduce_sum3A_857 = arith.constant dense<0.000000e+00> : vector<1xf32>
    %reduce_sum3A_858 = vector.multi_reduction <add>, %reduce_sum3A_856, %reduce_sum3A_857 [1, 2] : vector<1x1x256xf32> to vector<1xf32>
    %reduce_sum3A_859 = vector.shape_cast %reduce_sum3A_858 : vector<1xf32> to vector<1x1x1xf32>
    %reduce_sum3A_860 = vector.extract %reduce_sum3A_859[0, 0, 0] : f32 from vector<1x1x1xf32>
    %add3A_861 = arith.addf %add3A_839, %reduce_sum3A_860 : f32
    %slice3A_862 = vector.extract_strided_slice %concatenate3A_774 {offsets = [0, 768], sizes = [1, 256], strides = [1, 1]} : vector<1x2048xf32> to vector<1x256xf32>
    %slice3A_863 = vector.extract_strided_slice %mul3A_788 {offsets = [0, 768], sizes = [1, 256], strides = [1, 1]} : vector<1x2048xf32> to vector<1x256xf32>
    %dot_general3A_864 = arith.constant dense<0.000000e+00> : vector<1x256xf32>
    %dot_general3A_865 = tpu.matmul %slice3A_862, %convert_element_type3A_792, %dot_general3A_864 {dimension_numbers = #tpu.dot_dimension_numbers<[1], [0], [0], [1], [0, 0, 1, 1], [], []>, transpose_lhs_hint = false} : vector<1x256xf32>, vector<256x256xf32>, vector<1x256xf32> -> vector<1x256xf32>
    %add3A_866 = vector.broadcast %add3A_855 : f32 to vector<1x256xf32>
    %add3A_867 = arith.addf %add3A_866, %dot_general3A_865 : vector<1x256xf32>
    %dot_general3A_868 = arith.constant dense<0.000000e+00> : vector<1x256xf32>
    %dot_general3A_869 = tpu.matmul %slice3A_863, %convert_element_type3A_792, %dot_general3A_868 {dimension_numbers = #tpu.dot_dimension_numbers<[1], [0], [0], [1], [0, 0, 1, 1], [], []>, transpose_lhs_hint = false} : vector<1x256xf32>, vector<256x256xf32>, vector<1x256xf32> -> vector<1x256xf32>
    %add3A_870 = vector.broadcast %add3A_861 : f32 to vector<1x256xf32>
    %add3A_871 = arith.addf %add3A_870, %dot_general3A_869 : vector<1x256xf32>
    %reduce_sum3A_872 = vector.shape_cast %slice3A_862 : vector<1x256xf32> to vector<1x1x256xf32>
    %reduce_sum3A_873 = arith.constant dense<0.000000e+00> : vector<1xf32>
    %reduce_sum3A_874 = vector.multi_reduction <add>, %reduce_sum3A_872, %reduce_sum3A_873 [1, 2] : vector<1x1x256xf32> to vector<1xf32>
    %reduce_sum3A_875 = vector.shape_cast %reduce_sum3A_874 : vector<1xf32> to vector<1x1x1xf32>
    %reduce_sum3A_876 = vector.extract %reduce_sum3A_875[0, 0, 0] : f32 from vector<1x1x1xf32>
    %add3A_877 = arith.addf %add3A_855, %reduce_sum3A_876 : f32
    %reduce_sum3A_878 = vector.shape_cast %slice3A_863 : vector<1x256xf32> to vector<1x1x256xf32>
    %reduce_sum3A_879 = arith.constant dense<0.000000e+00> : vector<1xf32>
    %reduce_sum3A_880 = vector.multi_reduction <add>, %reduce_sum3A_878, %reduce_sum3A_879 [1, 2] : vector<1x1x256xf32> to vector<1xf32>
    %reduce_sum3A_881 = vector.shape_cast %reduce_sum3A_880 : vector<1xf32> to vector<1x1x1xf32>
    %reduce_sum3A_882 = vector.extract %reduce_sum3A_881[0, 0, 0] : f32 from vector<1x1x1xf32>
    %add3A_883 = arith.addf %add3A_861, %reduce_sum3A_882 : f32
    %slice3A_884 = vector.extract_strided_slice %concatenate3A_774 {offsets = [0, 1024], sizes = [1, 256], strides = [1, 1]} : vector<1x2048xf32> to vector<1x256xf32>
    %slice3A_885 = vector.extract_strided_slice %mul3A_788 {offsets = [0, 1024], sizes = [1, 256], strides = [1, 1]} : vector<1x2048xf32> to vector<1x256xf32>
    %dot_general3A_886 = arith.constant dense<0.000000e+00> : vector<1x256xf32>
    %dot_general3A_887 = tpu.matmul %slice3A_884, %convert_element_type3A_792, %dot_general3A_886 {dimension_numbers = #tpu.dot_dimension_numbers<[1], [0], [0], [1], [0, 0, 1, 1], [], []>, transpose_lhs_hint = false} : vector<1x256xf32>, vector<256x256xf32>, vector<1x256xf32> -> vector<1x256xf32>
    %add3A_888 = vector.broadcast %add3A_877 : f32 to vector<1x256xf32>
    %add3A_889 = arith.addf %add3A_888, %dot_general3A_887 : vector<1x256xf32>
    %dot_general3A_890 = arith.constant dense<0.000000e+00> : vector<1x256xf32>
    %dot_general3A_891 = tpu.matmul %slice3A_885, %convert_element_type3A_792, %dot_general3A_890 {dimension_numbers = #tpu.dot_dimension_numbers<[1], [0], [0], [1], [0, 0, 1, 1], [], []>, transpose_lhs_hint = false} : vector<1x256xf32>, vector<256x256xf32>, vector<1x256xf32> -> vector<1x256xf32>
    %add3A_892 = vector.broadcast %add3A_883 : f32 to vector<1x256xf32>
    %add3A_893 = arith.addf %add3A_892, %dot_general3A_891 : vector<1x256xf32>
    %reduce_sum3A_894 = vector.shape_cast %slice3A_884 : vector<1x256xf32> to vector<1x1x256xf32>
    %reduce_sum3A_895 = arith.constant dense<0.000000e+00> : vector<1xf32>
    %reduce_sum3A_896 = vector.multi_reduction <add>, %reduce_sum3A_894, %reduce_sum3A_895 [1, 2] : vector<1x1x256xf32> to vector<1xf32>
    %reduce_sum3A_897 = vector.shape_cast %reduce_sum3A_896 : vector<1xf32> to vector<1x1x1xf32>
    %reduce_sum3A_898 = vector.extract %reduce_sum3A_897[0, 0, 0] : f32 from vector<1x1x1xf32>
    %add3A_899 = arith.addf %add3A_877, %reduce_sum3A_898 : f32
    %reduce_sum3A_900 = vector.shape_cast %slice3A_885 : vector<1x256xf32> to vector<1x1x256xf32>
    %reduce_sum3A_901 = arith.constant dense<0.000000e+00> : vector<1xf32>
    %reduce_sum3A_902 = vector.multi_reduction <add>, %reduce_sum3A_900, %reduce_sum3A_901 [1, 2] : vector<1x1x256xf32> to vector<1xf32>
    %reduce_sum3A_903 = vector.shape_cast %reduce_sum3A_902 : vector<1xf32> to vector<1x1x1xf32>
    %reduce_sum3A_904 = vector.extract %reduce_sum3A_903[0, 0, 0] : f32 from vector<1x1x1xf32>
    %add3A_905 = arith.addf %add3A_883, %reduce_sum3A_904 : f32
    %slice3A_906 = vector.extract_strided_slice %concatenate3A_774 {offsets = [0, 1280], sizes = [1, 256], strides = [1, 1]} : vector<1x2048xf32> to vector<1x256xf32>
    %slice3A_907 = vector.extract_strided_slice %mul3A_788 {offsets = [0, 1280], sizes = [1, 256], strides = [1, 1]} : vector<1x2048xf32> to vector<1x256xf32>
    %dot_general3A_908 = arith.constant dense<0.000000e+00> : vector<1x256xf32>
    %dot_general3A_909 = tpu.matmul %slice3A_906, %convert_element_type3A_792, %dot_general3A_908 {dimension_numbers = #tpu.dot_dimension_numbers<[1], [0], [0], [1], [0, 0, 1, 1], [], []>, transpose_lhs_hint = false} : vector<1x256xf32>, vector<256x256xf32>, vector<1x256xf32> -> vector<1x256xf32>
    %add3A_910 = vector.broadcast %add3A_899 : f32 to vector<1x256xf32>
    %add3A_911 = arith.addf %add3A_910, %dot_general3A_909 : vector<1x256xf32>
    %dot_general3A_912 = arith.constant dense<0.000000e+00> : vector<1x256xf32>
    %dot_general3A_913 = tpu.matmul %slice3A_907, %convert_element_type3A_792, %dot_general3A_912 {dimension_numbers = #tpu.dot_dimension_numbers<[1], [0], [0], [1], [0, 0, 1, 1], [], []>, transpose_lhs_hint = false} : vector<1x256xf32>, vector<256x256xf32>, vector<1x256xf32> -> vector<1x256xf32>
    %add3A_914 = vector.broadcast %add3A_905 : f32 to vector<1x256xf32>
    %add3A_915 = arith.addf %add3A_914, %dot_general3A_913 : vector<1x256xf32>
    %reduce_sum3A_916 = vector.shape_cast %slice3A_906 : vector<1x256xf32> to vector<1x1x256xf32>
    %reduce_sum3A_917 = arith.constant dense<0.000000e+00> : vector<1xf32>
    %reduce_sum3A_918 = vector.multi_reduction <add>, %reduce_sum3A_916, %reduce_sum3A_917 [1, 2] : vector<1x1x256xf32> to vector<1xf32>
    %reduce_sum3A_919 = vector.shape_cast %reduce_sum3A_918 : vector<1xf32> to vector<1x1x1xf32>
    %reduce_sum3A_920 = vector.extract %reduce_sum3A_919[0, 0, 0] : f32 from vector<1x1x1xf32>
    %add3A_921 = arith.addf %add3A_899, %reduce_sum3A_920 : f32
    %reduce_sum3A_922 = vector.shape_cast %slice3A_907 : vector<1x256xf32> to vector<1x1x256xf32>
    %reduce_sum3A_923 = arith.constant dense<0.000000e+00> : vector<1xf32>
    %reduce_sum3A_924 = vector.multi_reduction <add>, %reduce_sum3A_922, %reduce_sum3A_923 [1, 2] : vector<1x1x256xf32> to vector<1xf32>
    %reduce_sum3A_925 = vector.shape_cast %reduce_sum3A_924 : vector<1xf32> to vector<1x1x1xf32>
    %reduce_sum3A_926 = vector.extract %reduce_sum3A_925[0, 0, 0] : f32 from vector<1x1x1xf32>
    %add3A_927 = arith.addf %add3A_905, %reduce_sum3A_926 : f32
    %slice3A_928 = vector.extract_strided_slice %concatenate3A_774 {offsets = [0, 1536], sizes = [1, 256], strides = [1, 1]} : vector<1x2048xf32> to vector<1x256xf32>
    %slice3A_929 = vector.extract_strided_slice %mul3A_788 {offsets = [0, 1536], sizes = [1, 256], strides = [1, 1]} : vector<1x2048xf32> to vector<1x256xf32>
    %dot_general3A_930 = arith.constant dense<0.000000e+00> : vector<1x256xf32>
    %dot_general3A_931 = tpu.matmul %slice3A_928, %convert_element_type3A_792, %dot_general3A_930 {dimension_numbers = #tpu.dot_dimension_numbers<[1], [0], [0], [1], [0, 0, 1, 1], [], []>, transpose_lhs_hint = false} : vector<1x256xf32>, vector<256x256xf32>, vector<1x256xf32> -> vector<1x256xf32>
    %add3A_932 = vector.broadcast %add3A_921 : f32 to vector<1x256xf32>
    %add3A_933 = arith.addf %add3A_932, %dot_general3A_931 : vector<1x256xf32>
    %dot_general3A_934 = arith.constant dense<0.000000e+00> : vector<1x256xf32>
    %dot_general3A_935 = tpu.matmul %slice3A_929, %convert_element_type3A_792, %dot_general3A_934 {dimension_numbers = #tpu.dot_dimension_numbers<[1], [0], [0], [1], [0, 0, 1, 1], [], []>, transpose_lhs_hint = false} : vector<1x256xf32>, vector<256x256xf32>, vector<1x256xf32> -> vector<1x256xf32>
    %add3A_936 = vector.broadcast %add3A_927 : f32 to vector<1x256xf32>
    %add3A_937 = arith.addf %add3A_936, %dot_general3A_935 : vector<1x256xf32>
    %reduce_sum3A_938 = vector.shape_cast %slice3A_928 : vector<1x256xf32> to vector<1x1x256xf32>
    %reduce_sum3A_939 = arith.constant dense<0.000000e+00> : vector<1xf32>
    %reduce_sum3A_940 = vector.multi_reduction <add>, %reduce_sum3A_938, %reduce_sum3A_939 [1, 2] : vector<1x1x256xf32> to vector<1xf32>
    %reduce_sum3A_941 = vector.shape_cast %reduce_sum3A_940 : vector<1xf32> to vector<1x1x1xf32>
    %reduce_sum3A_942 = vector.extract %reduce_sum3A_941[0, 0, 0] : f32 from vector<1x1x1xf32>
    %add3A_943 = arith.addf %add3A_921, %reduce_sum3A_942 : f32
    %reduce_sum3A_944 = vector.shape_cast %slice3A_929 : vector<1x256xf32> to vector<1x1x256xf32>
    %reduce_sum3A_945 = arith.constant dense<0.000000e+00> : vector<1xf32>
    %reduce_sum3A_946 = vector.multi_reduction <add>, %reduce_sum3A_944, %reduce_sum3A_945 [1, 2] : vector<1x1x256xf32> to vector<1xf32>
    %reduce_sum3A_947 = vector.shape_cast %reduce_sum3A_946 : vector<1xf32> to vector<1x1x1xf32>
    %reduce_sum3A_948 = vector.extract %reduce_sum3A_947[0, 0, 0] : f32 from vector<1x1x1xf32>
    %add3A_949 = arith.addf %add3A_927, %reduce_sum3A_948 : f32
    %slice3A_950 = vector.extract_strided_slice %concatenate3A_774 {offsets = [0, 1792], sizes = [1, 256], strides = [1, 1]} : vector<1x2048xf32> to vector<1x256xf32>
    %slice3A_951 = vector.extract_strided_slice %mul3A_788 {offsets = [0, 1792], sizes = [1, 256], strides = [1, 1]} : vector<1x2048xf32> to vector<1x256xf32>
    %dot_general3A_952 = arith.constant dense<0.000000e+00> : vector<1x256xf32>
    %dot_general3A_953 = tpu.matmul %slice3A_950, %convert_element_type3A_792, %dot_general3A_952 {dimension_numbers = #tpu.dot_dimension_numbers<[1], [0], [0], [1], [0, 0, 1, 1], [], []>, transpose_lhs_hint = false} : vector<1x256xf32>, vector<256x256xf32>, vector<1x256xf32> -> vector<1x256xf32>
    %add3A_954 = vector.broadcast %add3A_943 : f32 to vector<1x256xf32>
    %add3A_955 = arith.addf %add3A_954, %dot_general3A_953 : vector<1x256xf32>
    %dot_general3A_956 = arith.constant dense<0.000000e+00> : vector<1x256xf32>
    %dot_general3A_957 = tpu.matmul %slice3A_951, %convert_element_type3A_792, %dot_general3A_956 {dimension_numbers = #tpu.dot_dimension_numbers<[1], [0], [0], [1], [0, 0, 1, 1], [], []>, transpose_lhs_hint = false} : vector<1x256xf32>, vector<256x256xf32>, vector<1x256xf32> -> vector<1x256xf32>
    %add3A_958 = vector.broadcast %add3A_949 : f32 to vector<1x256xf32>
    %add3A_959 = arith.addf %add3A_958, %dot_general3A_957 : vector<1x256xf32>
    %reduce_sum3A_960 = vector.shape_cast %slice3A_950 : vector<1x256xf32> to vector<1x1x256xf32>
    %reduce_sum3A_961 = arith.constant dense<0.000000e+00> : vector<1xf32>
    %reduce_sum3A_962 = vector.multi_reduction <add>, %reduce_sum3A_960, %reduce_sum3A_961 [1, 2] : vector<1x1x256xf32> to vector<1xf32>
    %reduce_sum3A_963 = vector.shape_cast %reduce_sum3A_962 : vector<1xf32> to vector<1x1x1xf32>
    %reduce_sum3A_964 = vector.extract %reduce_sum3A_963[0, 0, 0] : f32 from vector<1x1x1xf32>
    %add3A_965 = arith.addf %add3A_943, %reduce_sum3A_964 : f32
    %concatenate3A_966 = tpu.concatenate %add3A_799, %add3A_823, %add3A_845, %add3A_867, %add3A_889, %add3A_911, %add3A_933, %add3A_955 in 1 : vector<1x256xf32>, vector<1x256xf32>, vector<1x256xf32>, vector<1x256xf32>, vector<1x256xf32>, vector<1x256xf32>, vector<1x256xf32>, vector<1x256xf32> -> vector<1x2048xf32>
    %concatenate3A_967 = tpu.concatenate %add3A_804, %add3A_827, %add3A_849, %add3A_871, %add3A_893, %add3A_915, %add3A_937, %add3A_959 in 1 : vector<1x256xf32>, vector<1x256xf32>, vector<1x256xf32>, vector<1x256xf32>, vector<1x256xf32>, vector<1x256xf32>, vector<1x256xf32>, vector<1x256xf32> -> vector<1x2048xf32>
    %sub3A_968 = arith.constant 1.000000e+00 : f32
    %sub3A_969 = vector.broadcast %sub3A_968 : f32 to vector<1x2048xf32>
    %sub3A_970 = arith.subf %concatenate3A_966, %sub3A_969 : vector<1x2048xf32>
    %mul3A_971 = arith.mulf %concatenate3A_774, %sub3A_970 : vector<1x2048xf32>
    %sub3A_972 = arith.constant 1.000000e+00 : f32
    %sub3A_973 = vector.broadcast %sub3A_972 : f32 to vector<1x2048xf32>
    %sub3A_974 = arith.subf %sub3A_973, %concatenate3A_774 : vector<1x2048xf32>
    %add3A_975 = vector.broadcast %add3A_965 : f32 to vector<1x2048xf32>
    %add3A_976 = arith.addf %add3A_975, %concatenate3A_967 : vector<1x2048xf32>
    %sub3A_977 = arith.constant 1.000000e+00 : f32
    %sub3A_978 = vector.broadcast %sub3A_977 : f32 to vector<1x2048xf32>
    %sub3A_979 = arith.subf %add3A_976, %sub3A_978 : vector<1x2048xf32>
    %mul3A_980 = arith.mulf %sub3A_974, %sub3A_979 : vector<1x2048xf32>
    %add3A_981 = arith.addf %mul3A_971, %mul3A_980 : vector<1x2048xf32>
    %convert_element_type3A_982 = arith.fptosi %add3A_981 : vector<1x2048xf32> to vector<1x2048xi32>
    %mul3A_983 = arith.mulf %concatenate3A_774, %get3A_779 : vector<1x2048xf32>
    %sub3A_984 = arith.constant 1.000000e+00 : f32
    %sub3A_985 = vector.broadcast %sub3A_984 : f32 to vector<1x2048xf32>
    %sub3A_986 = arith.subf %sub3A_985, %concatenate3A_774 : vector<1x2048xf32>
    %mul3A_987 = arith.constant -1.000000e+10 : f32
    %mul3A_988 = vector.broadcast %mul3A_987 : f32 to vector<1x2048xf32>
    %mul3A_989 = arith.mulf %sub3A_986, %mul3A_988 : vector<1x2048xf32>
    %add3A_990 = arith.addf %mul3A_983, %mul3A_989 : vector<1x2048xf32>
    %iota3A_991 = tpu.iota {dimensions = array<i32: 0>} : vector<256x2048xi32>
    %add3A_992 = arith.constant 0 : i32
    %add3A_993 = vector.broadcast %add3A_992 : i32 to vector<256x2048xi32>
    %add3A_994 = arith.addi %add3A_993, %iota3A_991 : vector<256x2048xi32>
    %eq3A = vector.broadcast %convert_element_type3A_982 : vector<1x2048xi32> to vector<256x2048xi32>
    %eq3A_995 = arith.cmpi eq, %eq3A, %add3A_994 : vector<256x2048xi32>
    %jit3A_996 = arith.constant -3.400000e+38 : f32
    %broadcast_in_dim3A = vector.shape_cast %min3A_76 : vector<1x2048xf32> to vector<1x2048xf32>
    %broadcast_in_dim3A_997 = vector.broadcast %broadcast_in_dim3A : vector<1x2048xf32> to vector<256x2048xf32>
    %broadcast_in_dim3A_998 = vector.broadcast %jit3A_996 : f32 to vector<256x2048xf32>
    %select_n3A = arith.select %eq3A_995, %broadcast_in_dim3A_997, %broadcast_in_dim3A_998 : vector<256x2048xi1>, vector<256x2048xf32>
    %reduce_max3A = arith.constant dense<0xFF800000> : vector<256xf32>
    %reduce_max3A_999 = vector.multi_reduction <maximumf>, %select_n3A, %reduce_max3A [1] : vector<256x2048xf32> to vector<256xf32>
    %broadcast_in_dim3A_1000 = vector.shape_cast %reduce_max3A_999 : vector<256xf32> to vector<256x1xf32>
    %swap3A_1001 = arith.constant 0 : index
    %swap3A_1002 = arith.constant 0 : index
    %swap3A_1003 = arith.constant 0 : index
    %swap3A_1004 = vector.load %arg6[%swap3A_1001, %swap3A_1002, %swap3A_1003] : memref<1x1024x8xf32, #tpu.memory_space<vmem>>, vector<1x256x1xf32>
    %swap3A_1005 = vector.shape_cast %swap3A_1004 : vector<1x256x1xf32> to vector<256x1xf32>
    %swap3A_1006 = vector.shape_cast %broadcast_in_dim3A_1000 : vector<256x1xf32> to vector<1x256x1xf32>
    tpu.vector_store %arg6[%swap3A_1001, %swap3A_1002, %swap3A_1003], %swap3A_1006 {strides = array<i32>} : memref<1x1024x8xf32, #tpu.memory_space<vmem>>, vector<1x256x1xf32>,
    %jit3A_1007 = arith.constant -3.400000e+38 : f32
    %broadcast_in_dim3A_1008 = vector.shape_cast %min3A_82 : vector<1x2048xf32> to vector<1x2048xf32>
    %broadcast_in_dim3A_1009 = vector.broadcast %broadcast_in_dim3A_1008 : vector<1x2048xf32> to vector<256x2048xf32>
    %broadcast_in_dim3A_1010 = vector.broadcast %jit3A_1007 : f32 to vector<256x2048xf32>
    %select_n3A_1011 = arith.select %eq3A_995, %broadcast_in_dim3A_1009, %broadcast_in_dim3A_1010 : vector<256x2048xi1>, vector<256x2048xf32>
    %reduce_max3A_1012 = arith.constant dense<0xFF800000> : vector<256xf32>
    %reduce_max3A_1013 = vector.multi_reduction <maximumf>, %select_n3A_1011, %reduce_max3A_1012 [1] : vector<256x2048xf32> to vector<256xf32>
    %broadcast_in_dim3A_1014 = vector.shape_cast %reduce_max3A_1013 : vector<256xf32> to vector<256x1xf32>
    %swap3A_1015 = arith.constant 0 : index
    %swap3A_1016 = arith.constant 0 : index
    %swap3A_1017 = arith.constant 1 : index
    %swap3A_1018 = vector.load %arg6[%swap3A_1015, %swap3A_1016, %swap3A_1017] : memref<1x1024x8xf32, #tpu.memory_space<vmem>>, vector<1x256x1xf32>
    %swap3A_1019 = vector.shape_cast %swap3A_1018 : vector<1x256x1xf32> to vector<256x1xf32>
    %swap3A_1020 = vector.shape_cast %broadcast_in_dim3A_1014 : vector<256x1xf32> to vector<1x256x1xf32>
    tpu.vector_store %arg6[%swap3A_1015, %swap3A_1016, %swap3A_1017], %swap3A_1020 {strides = array<i32>} : memref<1x1024x8xf32, #tpu.memory_space<vmem>>, vector<1x256x1xf32>,
    %jit3A_1021 = arith.constant -3.400000e+38 : f32
    %broadcast_in_dim3A_1022 = vector.shape_cast %min3A_88 : vector<1x2048xf32> to vector<1x2048xf32>
    %broadcast_in_dim3A_1023 = vector.broadcast %broadcast_in_dim3A_1022 : vector<1x2048xf32> to vector<256x2048xf32>
    %broadcast_in_dim3A_1024 = vector.broadcast %jit3A_1021 : f32 to vector<256x2048xf32>
    %select_n3A_1025 = arith.select %eq3A_995, %broadcast_in_dim3A_1023, %broadcast_in_dim3A_1024 : vector<256x2048xi1>, vector<256x2048xf32>
    %reduce_max3A_1026 = arith.constant dense<0xFF800000> : vector<256xf32>
    %reduce_max3A_1027 = vector.multi_reduction <maximumf>, %select_n3A_1025, %reduce_max3A_1026 [1] : vector<256x2048xf32> to vector<256xf32>
    %broadcast_in_dim3A_1028 = vector.shape_cast %reduce_max3A_1027 : vector<256xf32> to vector<256x1xf32>
    %swap3A_1029 = arith.constant 0 : index
    %swap3A_1030 = arith.constant 0 : index
    %swap3A_1031 = arith.constant 2 : index
    %swap3A_1032 = vector.load %arg6[%swap3A_1029, %swap3A_1030, %swap3A_1031] : memref<1x1024x8xf32, #tpu.memory_space<vmem>>, vector<1x256x1xf32>
    %swap3A_1033 = vector.shape_cast %swap3A_1032 : vector<1x256x1xf32> to vector<256x1xf32>
    %swap3A_1034 = vector.shape_cast %broadcast_in_dim3A_1028 : vector<256x1xf32> to vector<1x256x1xf32>
    tpu.vector_store %arg6[%swap3A_1029, %swap3A_1030, %swap3A_1031], %swap3A_1034 {strides = array<i32>} : memref<1x1024x8xf32, #tpu.memory_space<vmem>>, vector<1x256x1xf32>,
    %jit3A_1035 = arith.constant -3.400000e+38 : f32
    %broadcast_in_dim3A_1036 = vector.shape_cast %min3A_94 : vector<1x2048xf32> to vector<1x2048xf32>
    %broadcast_in_dim3A_1037 = vector.broadcast %broadcast_in_dim3A_1036 : vector<1x2048xf32> to vector<256x2048xf32>
    %broadcast_in_dim3A_1038 = vector.broadcast %jit3A_1035 : f32 to vector<256x2048xf32>
    %select_n3A_1039 = arith.select %eq3A_995, %broadcast_in_dim3A_1037, %broadcast_in_dim3A_1038 : vector<256x2048xi1>, vector<256x2048xf32>
    %reduce_max3A_1040 = arith.constant dense<0xFF800000> : vector<256xf32>
    %reduce_max3A_1041 = vector.multi_reduction <maximumf>, %select_n3A_1039, %reduce_max3A_1040 [1] : vector<256x2048xf32> to vector<256xf32>
    %broadcast_in_dim3A_1042 = vector.shape_cast %reduce_max3A_1041 : vector<256xf32> to vector<256x1xf32>
    %swap3A_1043 = arith.constant 0 : index
    %swap3A_1044 = arith.constant 0 : index
    %swap3A_1045 = arith.constant 3 : index
    %swap3A_1046 = vector.load %arg6[%swap3A_1043, %swap3A_1044, %swap3A_1045] : memref<1x1024x8xf32, #tpu.memory_space<vmem>>, vector<1x256x1xf32>
    %swap3A_1047 = vector.shape_cast %swap3A_1046 : vector<1x256x1xf32> to vector<256x1xf32>
    %swap3A_1048 = vector.shape_cast %broadcast_in_dim3A_1042 : vector<256x1xf32> to vector<1x256x1xf32>
    tpu.vector_store %arg6[%swap3A_1043, %swap3A_1044, %swap3A_1045], %swap3A_1048 {strides = array<i32>} : memref<1x1024x8xf32, #tpu.memory_space<vmem>>, vector<1x256x1xf32>,
    %jit3A_1049 = arith.constant -3.400000e+38 : f32
    %broadcast_in_dim3A_1050 = vector.shape_cast %add3A_990 : vector<1x2048xf32> to vector<1x2048xf32>
    %broadcast_in_dim3A_1051 = vector.broadcast %broadcast_in_dim3A_1050 : vector<1x2048xf32> to vector<256x2048xf32>
    %broadcast_in_dim3A_1052 = vector.broadcast %jit3A_1049 : f32 to vector<256x2048xf32>
    %select_n3A_1053 = arith.select %eq3A_995, %broadcast_in_dim3A_1051, %broadcast_in_dim3A_1052 : vector<256x2048xi1>, vector<256x2048xf32>
    %reduce_max3A_1054 = arith.constant dense<0xFF800000> : vector<256xf32>
    %reduce_max3A_1055 = vector.multi_reduction <maximumf>, %select_n3A_1053, %reduce_max3A_1054 [1] : vector<256x2048xf32> to vector<256xf32>
    %broadcast_in_dim3A_1056 = vector.shape_cast %reduce_max3A_1055 : vector<256xf32> to vector<256x1xf32>
    %swap3A_1057 = arith.constant 0 : index
    %swap3A_1058 = arith.constant 0 : index
    %swap3A_1059 = arith.constant 4 : index
    %swap3A_1060 = vector.load %arg6[%swap3A_1057, %swap3A_1058, %swap3A_1059] : memref<1x1024x8xf32, #tpu.memory_space<vmem>>, vector<1x256x1xf32>
    %swap3A_1061 = vector.shape_cast %swap3A_1060 : vector<1x256x1xf32> to vector<256x1xf32>
    %swap3A_1062 = vector.shape_cast %broadcast_in_dim3A_1056 : vector<256x1xf32> to vector<1x256x1xf32>
    tpu.vector_store %arg6[%swap3A_1057, %swap3A_1058, %swap3A_1059], %swap3A_1062 {strides = array<i32>} : memref<1x1024x8xf32, #tpu.memory_space<vmem>>, vector<1x256x1xf32>,
    %iota3A_1063 = tpu.iota {dimensions = array<i32: 0>} : vector<256x2048xi32>
    %add3A_1064 = arith.constant 256 : i32
    %add3A_1065 = vector.broadcast %add3A_1064 : i32 to vector<256x2048xi32>
    %add3A_1066 = arith.addi %add3A_1065, %iota3A_1063 : vector<256x2048xi32>
    %eq3A_1067 = vector.broadcast %convert_element_type3A_982 : vector<1x2048xi32> to vector<256x2048xi32>
    %eq3A_1068 = arith.cmpi eq, %eq3A_1067, %add3A_1066 : vector<256x2048xi32>
    %jit3A_1069 = arith.constant -3.400000e+38 : f32
    %broadcast_in_dim3A_1070 = vector.shape_cast %min3A_76 : vector<1x2048xf32> to vector<1x2048xf32>
    %broadcast_in_dim3A_1071 = vector.broadcast %broadcast_in_dim3A_1070 : vector<1x2048xf32> to vector<256x2048xf32>
    %broadcast_in_dim3A_1072 = vector.broadcast %jit3A_1069 : f32 to vector<256x2048xf32>
    %select_n3A_1073 = arith.select %eq3A_1068, %broadcast_in_dim3A_1071, %broadcast_in_dim3A_1072 : vector<256x2048xi1>, vector<256x2048xf32>
    %reduce_max3A_1074 = arith.constant dense<0xFF800000> : vector<256xf32>
    %reduce_max3A_1075 = vector.multi_reduction <maximumf>, %select_n3A_1073, %reduce_max3A_1074 [1] : vector<256x2048xf32> to vector<256xf32>
    %broadcast_in_dim3A_1076 = vector.shape_cast %reduce_max3A_1075 : vector<256xf32> to vector<256x1xf32>
    %swap3A_1077 = arith.constant 0 : index
    %swap3A_1078 = arith.constant 256 : index
    %swap3A_1079 = arith.constant 0 : index
    %swap3A_1080 = vector.load %arg6[%swap3A_1077, %swap3A_1078, %swap3A_1079] : memref<1x1024x8xf32, #tpu.memory_space<vmem>>, vector<1x256x1xf32>
    %swap3A_1081 = vector.shape_cast %swap3A_1080 : vector<1x256x1xf32> to vector<256x1xf32>
    %swap3A_1082 = vector.shape_cast %broadcast_in_dim3A_1076 : vector<256x1xf32> to vector<1x256x1xf32>
    tpu.vector_store %arg6[%swap3A_1077, %swap3A_1078, %swap3A_1079], %swap3A_1082 {strides = array<i32>} : memref<1x1024x8xf32, #tpu.memory_space<vmem>>, vector<1x256x1xf32>,
    %jit3A_1083 = arith.constant -3.400000e+38 : f32
    %broadcast_in_dim3A_1084 = vector.shape_cast %min3A_82 : vector<1x2048xf32> to vector<1x2048xf32>
    %broadcast_in_dim3A_1085 = vector.broadcast %broadcast_in_dim3A_1084 : vector<1x2048xf32> to vector<256x2048xf32>
    %broadcast_in_dim3A_1086 = vector.broadcast %jit3A_1083 : f32 to vector<256x2048xf32>
    %select_n3A_1087 = arith.select %eq3A_1068, %broadcast_in_dim3A_1085, %broadcast_in_dim3A_1086 : vector<256x2048xi1>, vector<256x2048xf32>
    %reduce_max3A_1088 = arith.constant dense<0xFF800000> : vector<256xf32>
    %reduce_max3A_1089 = vector.multi_reduction <maximumf>, %select_n3A_1087, %reduce_max3A_1088 [1] : vector<256x2048xf32> to vector<256xf32>
    %broadcast_in_dim3A_1090 = vector.shape_cast %reduce_max3A_1089 : vector<256xf32> to vector<256x1xf32>
    %swap3A_1091 = arith.constant 0 : index
    %swap3A_1092 = arith.constant 256 : index
    %swap3A_1093 = arith.constant 1 : index
    %swap3A_1094 = vector.load %arg6[%swap3A_1091, %swap3A_1092, %swap3A_1093] : memref<1x1024x8xf32, #tpu.memory_space<vmem>>, vector<1x256x1xf32>
    %swap3A_1095 = vector.shape_cast %swap3A_1094 : vector<1x256x1xf32> to vector<256x1xf32>
    %swap3A_1096 = vector.shape_cast %broadcast_in_dim3A_1090 : vector<256x1xf32> to vector<1x256x1xf32>
    tpu.vector_store %arg6[%swap3A_1091, %swap3A_1092, %swap3A_1093], %swap3A_1096 {strides = array<i32>} : memref<1x1024x8xf32, #tpu.memory_space<vmem>>, vector<1x256x1xf32>,
    %jit3A_1097 = arith.constant -3.400000e+38 : f32
    %broadcast_in_dim3A_1098 = vector.shape_cast %min3A_88 : vector<1x2048xf32> to vector<1x2048xf32>
    %broadcast_in_dim3A_1099 = vector.broadcast %broadcast_in_dim3A_1098 : vector<1x2048xf32> to vector<256x2048xf32>
    %broadcast_in_dim3A_1100 = vector.broadcast %jit3A_1097 : f32 to vector<256x2048xf32>
    %select_n3A_1101 = arith.select %eq3A_1068, %broadcast_in_dim3A_1099, %broadcast_in_dim3A_1100 : vector<256x2048xi1>, vector<256x2048xf32>
    %reduce_max3A_1102 = arith.constant dense<0xFF800000> : vector<256xf32>
    %reduce_max3A_1103 = vector.multi_reduction <maximumf>, %select_n3A_1101, %reduce_max3A_1102 [1] : vector<256x2048xf32> to vector<256xf32>
    %broadcast_in_dim3A_1104 = vector.shape_cast %reduce_max3A_1103 : vector<256xf32> to vector<256x1xf32>
    %swap3A_1105 = arith.constant 0 : index
    %swap3A_1106 = arith.constant 256 : index
    %swap3A_1107 = arith.constant 2 : index
    %swap3A_1108 = vector.load %arg6[%swap3A_1105, %swap3A_1106, %swap3A_1107] : memref<1x1024x8xf32, #tpu.memory_space<vmem>>, vector<1x256x1xf32>
    %swap3A_1109 = vector.shape_cast %swap3A_1108 : vector<1x256x1xf32> to vector<256x1xf32>
    %swap3A_1110 = vector.shape_cast %broadcast_in_dim3A_1104 : vector<256x1xf32> to vector<1x256x1xf32>
    tpu.vector_store %arg6[%swap3A_1105, %swap3A_1106, %swap3A_1107], %swap3A_1110 {strides = array<i32>} : memref<1x1024x8xf32, #tpu.memory_space<vmem>>, vector<1x256x1xf32>,
    %jit3A_1111 = arith.constant -3.400000e+38 : f32
    %broadcast_in_dim3A_1112 = vector.shape_cast %min3A_94 : vector<1x2048xf32> to vector<1x2048xf32>
    %broadcast_in_dim3A_1113 = vector.broadcast %broadcast_in_dim3A_1112 : vector<1x2048xf32> to vector<256x2048xf32>
    %broadcast_in_dim3A_1114 = vector.broadcast %jit3A_1111 : f32 to vector<256x2048xf32>
    %select_n3A_1115 = arith.select %eq3A_1068, %broadcast_in_dim3A_1113, %broadcast_in_dim3A_1114 : vector<256x2048xi1>, vector<256x2048xf32>
    %reduce_max3A_1116 = arith.constant dense<0xFF800000> : vector<256xf32>
    %reduce_max3A_1117 = vector.multi_reduction <maximumf>, %select_n3A_1115, %reduce_max3A_1116 [1] : vector<256x2048xf32> to vector<256xf32>
    %broadcast_in_dim3A_1118 = vector.shape_cast %reduce_max3A_1117 : vector<256xf32> to vector<256x1xf32>
    %swap3A_1119 = arith.constant 0 : index
    %swap3A_1120 = arith.constant 256 : index
    %swap3A_1121 = arith.constant 3 : index
    %swap3A_1122 = vector.load %arg6[%swap3A_1119, %swap3A_1120, %swap3A_1121] : memref<1x1024x8xf32, #tpu.memory_space<vmem>>, vector<1x256x1xf32>
    %swap3A_1123 = vector.shape_cast %swap3A_1122 : vector<1x256x1xf32> to vector<256x1xf32>
    %swap3A_1124 = vector.shape_cast %broadcast_in_dim3A_1118 : vector<256x1xf32> to vector<1x256x1xf32>
    tpu.vector_store %arg6[%swap3A_1119, %swap3A_1120, %swap3A_1121], %swap3A_1124 {strides = array<i32>} : memref<1x1024x8xf32, #tpu.memory_space<vmem>>, vector<1x256x1xf32>,
    %jit3A_1125 = arith.constant -3.400000e+38 : f32
    %broadcast_in_dim3A_1126 = vector.shape_cast %add3A_990 : vector<1x2048xf32> to vector<1x2048xf32>
    %broadcast_in_dim3A_1127 = vector.broadcast %broadcast_in_dim3A_1126 : vector<1x2048xf32> to vector<256x2048xf32>
    %broadcast_in_dim3A_1128 = vector.broadcast %jit3A_1125 : f32 to vector<256x2048xf32>
    %select_n3A_1129 = arith.select %eq3A_1068, %broadcast_in_dim3A_1127, %broadcast_in_dim3A_1128 : vector<256x2048xi1>, vector<256x2048xf32>
    %reduce_max3A_1130 = arith.constant dense<0xFF800000> : vector<256xf32>
    %reduce_max3A_1131 = vector.multi_reduction <maximumf>, %select_n3A_1129, %reduce_max3A_1130 [1] : vector<256x2048xf32> to vector<256xf32>
    %broadcast_in_dim3A_1132 = vector.shape_cast %reduce_max3A_1131 : vector<256xf32> to vector<256x1xf32>
    %swap3A_1133 = arith.constant 0 : index
    %swap3A_1134 = arith.constant 256 : index
    %swap3A_1135 = arith.constant 4 : index
    %swap3A_1136 = vector.load %arg6[%swap3A_1133, %swap3A_1134, %swap3A_1135] : memref<1x1024x8xf32, #tpu.memory_space<vmem>>, vector<1x256x1xf32>
    %swap3A_1137 = vector.shape_cast %swap3A_1136 : vector<1x256x1xf32> to vector<256x1xf32>
    %swap3A_1138 = vector.shape_cast %broadcast_in_dim3A_1132 : vector<256x1xf32> to vector<1x256x1xf32>
    tpu.vector_store %arg6[%swap3A_1133, %swap3A_1134, %swap3A_1135], %swap3A_1138 {strides = array<i32>} : memref<1x1024x8xf32, #tpu.memory_space<vmem>>, vector<1x256x1xf32>,
    %iota3A_1139 = tpu.iota {dimensions = array<i32: 0>} : vector<256x2048xi32>
    %add3A_1140 = arith.constant 512 : i32
    %add3A_1141 = vector.broadcast %add3A_1140 : i32 to vector<256x2048xi32>
    %add3A_1142 = arith.addi %add3A_1141, %iota3A_1139 : vector<256x2048xi32>
    %eq3A_1143 = vector.broadcast %convert_element_type3A_982 : vector<1x2048xi32> to vector<256x2048xi32>
    %eq3A_1144 = arith.cmpi eq, %eq3A_1143, %add3A_1142 : vector<256x2048xi32>
    %jit3A_1145 = arith.constant -3.400000e+38 : f32
    %broadcast_in_dim3A_1146 = vector.shape_cast %min3A_76 : vector<1x2048xf32> to vector<1x2048xf32>
    %broadcast_in_dim3A_1147 = vector.broadcast %broadcast_in_dim3A_1146 : vector<1x2048xf32> to vector<256x2048xf32>
    %broadcast_in_dim3A_1148 = vector.broadcast %jit3A_1145 : f32 to vector<256x2048xf32>
    %select_n3A_1149 = arith.select %eq3A_1144, %broadcast_in_dim3A_1147, %broadcast_in_dim3A_1148 : vector<256x2048xi1>, vector<256x2048xf32>
    %reduce_max3A_1150 = arith.constant dense<0xFF800000> : vector<256xf32>
    %reduce_max3A_1151 = vector.multi_reduction <maximumf>, %select_n3A_1149, %reduce_max3A_1150 [1] : vector<256x2048xf32> to vector<256xf32>
    %broadcast_in_dim3A_1152 = vector.shape_cast %reduce_max3A_1151 : vector<256xf32> to vector<256x1xf32>
    %swap3A_1153 = arith.constant 0 : index
    %swap3A_1154 = arith.constant 512 : index
    %swap3A_1155 = arith.constant 0 : index
    %swap3A_1156 = vector.load %arg6[%swap3A_1153, %swap3A_1154, %swap3A_1155] : memref<1x1024x8xf32, #tpu.memory_space<vmem>>, vector<1x256x1xf32>
    %swap3A_1157 = vector.shape_cast %swap3A_1156 : vector<1x256x1xf32> to vector<256x1xf32>
    %swap3A_1158 = vector.shape_cast %broadcast_in_dim3A_1152 : vector<256x1xf32> to vector<1x256x1xf32>
    tpu.vector_store %arg6[%swap3A_1153, %swap3A_1154, %swap3A_1155], %swap3A_1158 {strides = array<i32>} : memref<1x1024x8xf32, #tpu.memory_space<vmem>>, vector<1x256x1xf32>,
    %jit3A_1159 = arith.constant -3.400000e+38 : f32
    %broadcast_in_dim3A_1160 = vector.shape_cast %min3A_82 : vector<1x2048xf32> to vector<1x2048xf32>
    %broadcast_in_dim3A_1161 = vector.broadcast %broadcast_in_dim3A_1160 : vector<1x2048xf32> to vector<256x2048xf32>
    %broadcast_in_dim3A_1162 = vector.broadcast %jit3A_1159 : f32 to vector<256x2048xf32>
    %select_n3A_1163 = arith.select %eq3A_1144, %broadcast_in_dim3A_1161, %broadcast_in_dim3A_1162 : vector<256x2048xi1>, vector<256x2048xf32>
    %reduce_max3A_1164 = arith.constant dense<0xFF800000> : vector<256xf32>
    %reduce_max3A_1165 = vector.multi_reduction <maximumf>, %select_n3A_1163, %reduce_max3A_1164 [1] : vector<256x2048xf32> to vector<256xf32>
    %broadcast_in_dim3A_1166 = vector.shape_cast %reduce_max3A_1165 : vector<256xf32> to vector<256x1xf32>
    %swap3A_1167 = arith.constant 0 : index
    %swap3A_1168 = arith.constant 512 : index
    %swap3A_1169 = arith.constant 1 : index
    %swap3A_1170 = vector.load %arg6[%swap3A_1167, %swap3A_1168, %swap3A_1169] : memref<1x1024x8xf32, #tpu.memory_space<vmem>>, vector<1x256x1xf32>
    %swap3A_1171 = vector.shape_cast %swap3A_1170 : vector<1x256x1xf32> to vector<256x1xf32>
    %swap3A_1172 = vector.shape_cast %broadcast_in_dim3A_1166 : vector<256x1xf32> to vector<1x256x1xf32>
    tpu.vector_store %arg6[%swap3A_1167, %swap3A_1168, %swap3A_1169], %swap3A_1172 {strides = array<i32>} : memref<1x1024x8xf32, #tpu.memory_space<vmem>>, vector<1x256x1xf32>,
    %jit3A_1173 = arith.constant -3.400000e+38 : f32
    %broadcast_in_dim3A_1174 = vector.shape_cast %min3A_88 : vector<1x2048xf32> to vector<1x2048xf32>
    %broadcast_in_dim3A_1175 = vector.broadcast %broadcast_in_dim3A_1174 : vector<1x2048xf32> to vector<256x2048xf32>
    %broadcast_in_dim3A_1176 = vector.broadcast %jit3A_1173 : f32 to vector<256x2048xf32>
    %select_n3A_1177 = arith.select %eq3A_1144, %broadcast_in_dim3A_1175, %broadcast_in_dim3A_1176 : vector<256x2048xi1>, vector<256x2048xf32>
    %reduce_max3A_1178 = arith.constant dense<0xFF800000> : vector<256xf32>
    %reduce_max3A_1179 = vector.multi_reduction <maximumf>, %select_n3A_1177, %reduce_max3A_1178 [1] : vector<256x2048xf32> to vector<256xf32>
    %broadcast_in_dim3A_1180 = vector.shape_cast %reduce_max3A_1179 : vector<256xf32> to vector<256x1xf32>
    %swap3A_1181 = arith.constant 0 : index
    %swap3A_1182 = arith.constant 512 : index
    %swap3A_1183 = arith.constant 2 : index
    %swap3A_1184 = vector.load %arg6[%swap3A_1181, %swap3A_1182, %swap3A_1183] : memref<1x1024x8xf32, #tpu.memory_space<vmem>>, vector<1x256x1xf32>
    %swap3A_1185 = vector.shape_cast %swap3A_1184 : vector<1x256x1xf32> to vector<256x1xf32>
    %swap3A_1186 = vector.shape_cast %broadcast_in_dim3A_1180 : vector<256x1xf32> to vector<1x256x1xf32>
    tpu.vector_store %arg6[%swap3A_1181, %swap3A_1182, %swap3A_1183], %swap3A_1186 {strides = array<i32>} : memref<1x1024x8xf32, #tpu.memory_space<vmem>>, vector<1x256x1xf32>,
    %jit3A_1187 = arith.constant -3.400000e+38 : f32
    %broadcast_in_dim3A_1188 = vector.shape_cast %min3A_94 : vector<1x2048xf32> to vector<1x2048xf32>
    %broadcast_in_dim3A_1189 = vector.broadcast %broadcast_in_dim3A_1188 : vector<1x2048xf32> to vector<256x2048xf32>
    %broadcast_in_dim3A_1190 = vector.broadcast %jit3A_1187 : f32 to vector<256x2048xf32>
    %select_n3A_1191 = arith.select %eq3A_1144, %broadcast_in_dim3A_1189, %broadcast_in_dim3A_1190 : vector<256x2048xi1>, vector<256x2048xf32>
    %reduce_max3A_1192 = arith.constant dense<0xFF800000> : vector<256xf32>
    %reduce_max3A_1193 = vector.multi_reduction <maximumf>, %select_n3A_1191, %reduce_max3A_1192 [1] : vector<256x2048xf32> to vector<256xf32>
    %broadcast_in_dim3A_1194 = vector.shape_cast %reduce_max3A_1193 : vector<256xf32> to vector<256x1xf32>
    %swap3A_1195 = arith.constant 0 : index
    %swap3A_1196 = arith.constant 512 : index
    %swap3A_1197 = arith.constant 3 : index
    %swap3A_1198 = vector.load %arg6[%swap3A_1195, %swap3A_1196, %swap3A_1197] : memref<1x1024x8xf32, #tpu.memory_space<vmem>>, vector<1x256x1xf32>
    %swap3A_1199 = vector.shape_cast %swap3A_1198 : vector<1x256x1xf32> to vector<256x1xf32>
    %swap3A_1200 = vector.shape_cast %broadcast_in_dim3A_1194 : vector<256x1xf32> to vector<1x256x1xf32>
    tpu.vector_store %arg6[%swap3A_1195, %swap3A_1196, %swap3A_1197], %swap3A_1200 {strides = array<i32>} : memref<1x1024x8xf32, #tpu.memory_space<vmem>>, vector<1x256x1xf32>,
    %jit3A_1201 = arith.constant -3.400000e+38 : f32
    %broadcast_in_dim3A_1202 = vector.shape_cast %add3A_990 : vector<1x2048xf32> to vector<1x2048xf32>
    %broadcast_in_dim3A_1203 = vector.broadcast %broadcast_in_dim3A_1202 : vector<1x2048xf32> to vector<256x2048xf32>
    %broadcast_in_dim3A_1204 = vector.broadcast %jit3A_1201 : f32 to vector<256x2048xf32>
    %select_n3A_1205 = arith.select %eq3A_1144, %broadcast_in_dim3A_1203, %broadcast_in_dim3A_1204 : vector<256x2048xi1>, vector<256x2048xf32>
    %reduce_max3A_1206 = arith.constant dense<0xFF800000> : vector<256xf32>
    %reduce_max3A_1207 = vector.multi_reduction <maximumf>, %select_n3A_1205, %reduce_max3A_1206 [1] : vector<256x2048xf32> to vector<256xf32>
    %broadcast_in_dim3A_1208 = vector.shape_cast %reduce_max3A_1207 : vector<256xf32> to vector<256x1xf32>
    %swap3A_1209 = arith.constant 0 : index
    %swap3A_1210 = arith.constant 512 : index
    %swap3A_1211 = arith.constant 4 : index
    %swap3A_1212 = vector.load %arg6[%swap3A_1209, %swap3A_1210, %swap3A_1211] : memref<1x1024x8xf32, #tpu.memory_space<vmem>>, vector<1x256x1xf32>
    %swap3A_1213 = vector.shape_cast %swap3A_1212 : vector<1x256x1xf32> to vector<256x1xf32>
    %swap3A_1214 = vector.shape_cast %broadcast_in_dim3A_1208 : vector<256x1xf32> to vector<1x256x1xf32>
    tpu.vector_store %arg6[%swap3A_1209, %swap3A_1210, %swap3A_1211], %swap3A_1214 {strides = array<i32>} : memref<1x1024x8xf32, #tpu.memory_space<vmem>>, vector<1x256x1xf32>,
    %iota3A_1215 = tpu.iota {dimensions = array<i32: 0>} : vector<256x2048xi32>
    %add3A_1216 = arith.constant 768 : i32
    %add3A_1217 = vector.broadcast %add3A_1216 : i32 to vector<256x2048xi32>
    %add3A_1218 = arith.addi %add3A_1217, %iota3A_1215 : vector<256x2048xi32>
    %eq3A_1219 = vector.broadcast %convert_element_type3A_982 : vector<1x2048xi32> to vector<256x2048xi32>
    %eq3A_1220 = arith.cmpi eq, %eq3A_1219, %add3A_1218 : vector<256x2048xi32>
    %jit3A_1221 = arith.constant -3.400000e+38 : f32
    %broadcast_in_dim3A_1222 = vector.shape_cast %min3A_76 : vector<1x2048xf32> to vector<1x2048xf32>
    %broadcast_in_dim3A_1223 = vector.broadcast %broadcast_in_dim3A_1222 : vector<1x2048xf32> to vector<256x2048xf32>
    %broadcast_in_dim3A_1224 = vector.broadcast %jit3A_1221 : f32 to vector<256x2048xf32>
    %select_n3A_1225 = arith.select %eq3A_1220, %broadcast_in_dim3A_1223, %broadcast_in_dim3A_1224 : vector<256x2048xi1>, vector<256x2048xf32>
    %reduce_max3A_1226 = arith.constant dense<0xFF800000> : vector<256xf32>
    %reduce_max3A_1227 = vector.multi_reduction <maximumf>, %select_n3A_1225, %reduce_max3A_1226 [1] : vector<256x2048xf32> to vector<256xf32>
    %broadcast_in_dim3A_1228 = vector.shape_cast %reduce_max3A_1227 : vector<256xf32> to vector<256x1xf32>
    %swap3A_1229 = arith.constant 0 : index
    %swap3A_1230 = arith.constant 768 : index
    %swap3A_1231 = arith.constant 0 : index
    %swap3A_1232 = vector.load %arg6[%swap3A_1229, %swap3A_1230, %swap3A_1231] : memref<1x1024x8xf32, #tpu.memory_space<vmem>>, vector<1x256x1xf32>
    %swap3A_1233 = vector.shape_cast %swap3A_1232 : vector<1x256x1xf32> to vector<256x1xf32>
    %swap3A_1234 = vector.shape_cast %broadcast_in_dim3A_1228 : vector<256x1xf32> to vector<1x256x1xf32>
    tpu.vector_store %arg6[%swap3A_1229, %swap3A_1230, %swap3A_1231], %swap3A_1234 {strides = array<i32>} : memref<1x1024x8xf32, #tpu.memory_space<vmem>>, vector<1x256x1xf32>,
    %jit3A_1235 = arith.constant -3.400000e+38 : f32
    %broadcast_in_dim3A_1236 = vector.shape_cast %min3A_82 : vector<1x2048xf32> to vector<1x2048xf32>
    %broadcast_in_dim3A_1237 = vector.broadcast %broadcast_in_dim3A_1236 : vector<1x2048xf32> to vector<256x2048xf32>
    %broadcast_in_dim3A_1238 = vector.broadcast %jit3A_1235 : f32 to vector<256x2048xf32>
    %select_n3A_1239 = arith.select %eq3A_1220, %broadcast_in_dim3A_1237, %broadcast_in_dim3A_1238 : vector<256x2048xi1>, vector<256x2048xf32>
    %reduce_max3A_1240 = arith.constant dense<0xFF800000> : vector<256xf32>
    %reduce_max3A_1241 = vector.multi_reduction <maximumf>, %select_n3A_1239, %reduce_max3A_1240 [1] : vector<256x2048xf32> to vector<256xf32>
    %broadcast_in_dim3A_1242 = vector.shape_cast %reduce_max3A_1241 : vector<256xf32> to vector<256x1xf32>
    %swap3A_1243 = arith.constant 0 : index
    %swap3A_1244 = arith.constant 768 : index
    %swap3A_1245 = arith.constant 1 : index
    %swap3A_1246 = vector.load %arg6[%swap3A_1243, %swap3A_1244, %swap3A_1245] : memref<1x1024x8xf32, #tpu.memory_space<vmem>>, vector<1x256x1xf32>
    %swap3A_1247 = vector.shape_cast %swap3A_1246 : vector<1x256x1xf32> to vector<256x1xf32>
    %swap3A_1248 = vector.shape_cast %broadcast_in_dim3A_1242 : vector<256x1xf32> to vector<1x256x1xf32>
    tpu.vector_store %arg6[%swap3A_1243, %swap3A_1244, %swap3A_1245], %swap3A_1248 {strides = array<i32>} : memref<1x1024x8xf32, #tpu.memory_space<vmem>>, vector<1x256x1xf32>,
    %jit3A_1249 = arith.constant -3.400000e+38 : f32
    %broadcast_in_dim3A_1250 = vector.shape_cast %min3A_88 : vector<1x2048xf32> to vector<1x2048xf32>
    %broadcast_in_dim3A_1251 = vector.broadcast %broadcast_in_dim3A_1250 : vector<1x2048xf32> to vector<256x2048xf32>
    %broadcast_in_dim3A_1252 = vector.broadcast %jit3A_1249 : f32 to vector<256x2048xf32>
    %select_n3A_1253 = arith.select %eq3A_1220, %broadcast_in_dim3A_1251, %broadcast_in_dim3A_1252 : vector<256x2048xi1>, vector<256x2048xf32>
    %reduce_max3A_1254 = arith.constant dense<0xFF800000> : vector<256xf32>
    %reduce_max3A_1255 = vector.multi_reduction <maximumf>, %select_n3A_1253, %reduce_max3A_1254 [1] : vector<256x2048xf32> to vector<256xf32>
    %broadcast_in_dim3A_1256 = vector.shape_cast %reduce_max3A_1255 : vector<256xf32> to vector<256x1xf32>
    %swap3A_1257 = arith.constant 0 : index
    %swap3A_1258 = arith.constant 768 : index
    %swap3A_1259 = arith.constant 2 : index
    %swap3A_1260 = vector.load %arg6[%swap3A_1257, %swap3A_1258, %swap3A_1259] : memref<1x1024x8xf32, #tpu.memory_space<vmem>>, vector<1x256x1xf32>
    %swap3A_1261 = vector.shape_cast %swap3A_1260 : vector<1x256x1xf32> to vector<256x1xf32>
    %swap3A_1262 = vector.shape_cast %broadcast_in_dim3A_1256 : vector<256x1xf32> to vector<1x256x1xf32>
    tpu.vector_store %arg6[%swap3A_1257, %swap3A_1258, %swap3A_1259], %swap3A_1262 {strides = array<i32>} : memref<1x1024x8xf32, #tpu.memory_space<vmem>>, vector<1x256x1xf32>,
    %jit3A_1263 = arith.constant -3.400000e+38 : f32
    %broadcast_in_dim3A_1264 = vector.shape_cast %min3A_94 : vector<1x2048xf32> to vector<1x2048xf32>
    %broadcast_in_dim3A_1265 = vector.broadcast %broadcast_in_dim3A_1264 : vector<1x2048xf32> to vector<256x2048xf32>
    %broadcast_in_dim3A_1266 = vector.broadcast %jit3A_1263 : f32 to vector<256x2048xf32>
    %select_n3A_1267 = arith.select %eq3A_1220, %broadcast_in_dim3A_1265, %broadcast_in_dim3A_1266 : vector<256x2048xi1>, vector<256x2048xf32>
    %reduce_max3A_1268 = arith.constant dense<0xFF800000> : vector<256xf32>
    %reduce_max3A_1269 = vector.multi_reduction <maximumf>, %select_n3A_1267, %reduce_max3A_1268 [1] : vector<256x2048xf32> to vector<256xf32>
    %broadcast_in_dim3A_1270 = vector.shape_cast %reduce_max3A_1269 : vector<256xf32> to vector<256x1xf32>
    %swap3A_1271 = arith.constant 0 : index
    %swap3A_1272 = arith.constant 768 : index
    %swap3A_1273 = arith.constant 3 : index
    %swap3A_1274 = vector.load %arg6[%swap3A_1271, %swap3A_1272, %swap3A_1273] : memref<1x1024x8xf32, #tpu.memory_space<vmem>>, vector<1x256x1xf32>
    %swap3A_1275 = vector.shape_cast %swap3A_1274 : vector<1x256x1xf32> to vector<256x1xf32>
    %swap3A_1276 = vector.shape_cast %broadcast_in_dim3A_1270 : vector<256x1xf32> to vector<1x256x1xf32>
    tpu.vector_store %arg6[%swap3A_1271, %swap3A_1272, %swap3A_1273], %swap3A_1276 {strides = array<i32>} : memref<1x1024x8xf32, #tpu.memory_space<vmem>>, vector<1x256x1xf32>,
    %jit3A_1277 = arith.constant -3.400000e+38 : f32
    %broadcast_in_dim3A_1278 = vector.shape_cast %add3A_990 : vector<1x2048xf32> to vector<1x2048xf32>
    %broadcast_in_dim3A_1279 = vector.broadcast %broadcast_in_dim3A_1278 : vector<1x2048xf32> to vector<256x2048xf32>
    %broadcast_in_dim3A_1280 = vector.broadcast %jit3A_1277 : f32 to vector<256x2048xf32>
    %select_n3A_1281 = arith.select %eq3A_1220, %broadcast_in_dim3A_1279, %broadcast_in_dim3A_1280 : vector<256x2048xi1>, vector<256x2048xf32>
    %reduce_max3A_1282 = arith.constant dense<0xFF800000> : vector<256xf32>
    %reduce_max3A_1283 = vector.multi_reduction <maximumf>, %select_n3A_1281, %reduce_max3A_1282 [1] : vector<256x2048xf32> to vector<256xf32>
    %broadcast_in_dim3A_1284 = vector.shape_cast %reduce_max3A_1283 : vector<256xf32> to vector<256x1xf32>
    %swap3A_1285 = arith.constant 0 : index
    %swap3A_1286 = arith.constant 768 : index
    %swap3A_1287 = arith.constant 4 : index
    %swap3A_1288 = vector.load %arg6[%swap3A_1285, %swap3A_1286, %swap3A_1287] : memref<1x1024x8xf32, #tpu.memory_space<vmem>>, vector<1x256x1xf32>
    %swap3A_1289 = vector.shape_cast %swap3A_1288 : vector<1x256x1xf32> to vector<256x1xf32>
    %swap3A_1290 = vector.shape_cast %broadcast_in_dim3A_1284 : vector<256x1xf32> to vector<1x256x1xf32>
    tpu.vector_store %arg6[%swap3A_1285, %swap3A_1286, %swap3A_1287], %swap3A_1290 {strides = array<i32>} : memref<1x1024x8xf32, #tpu.memory_space<vmem>>, vector<1x256x1xf32>,
    return
  }
  func.func @transform_0(%arg0: i32) -> (i32, i32, i32) {
    %c0_i32 = arith.constant 0 : i32
    %c0_i32_0 = arith.constant 0 : i32
    %c0_i32_1 = arith.constant 0 : i32
    return %arg0, %c0_i32, %c0_i32_0 : i32, i32, i32
  }
  func.func @transform_1(%arg0: i32) -> (i32, i32, i32) {
    %c0_i32 = arith.constant 0 : i32
    %c0_i32_0 = arith.constant 0 : i32
    %c0_i32_1 = arith.constant 0 : i32
    return %arg0, %c0_i32, %c0_i32_0 : i32, i32, i32
  }
  func.func @transform_2(%arg0: i32) -> (i32, i32, i32) {
    %c0_i32 = arith.constant 0 : i32
    %c0_i32_0 = arith.constant 0 : i32
    %c0_i32_1 = arith.constant 0 : i32
    return %arg0, %c0_i32, %c0_i32_0 : i32, i32, i32
  }
  func.func @transform_3(%arg0: i32) -> (i32, i32, i32) {
    %c0_i32 = arith.constant 0 : i32
    %c0_i32_0 = arith.constant 0 : i32
    %c0_i32_1 = arith.constant 0 : i32
    return %arg0, %c0_i32, %c0_i32_0 : i32, i32, i32
  }
  func.func @transform_4(%arg0: i32) -> (i32, i32, i32) {
    %c0_i32 = arith.constant 0 : i32
    %c0_i32_0 = arith.constant 0 : i32
    %c0_i32_1 = arith.constant 0 : i32
    return %arg0, %c0_i32, %c0_i32_0 : i32, i32, i32
  }
  func.func @transform_5(%arg0: i32) -> (i32, i32, i32) {
    %c0_i32 = arith.constant 0 : i32
    %c0_i32_0 = arith.constant 0 : i32
    %c0_i32_1 = arith.constant 0 : i32
    return %arg0, %c0_i32, %c0_i32_0 : i32, i32, i32
  }
}

</mosaic_0001>

<sc_bundles>
// kernel: gather_offload_async_start.1
scs
__scs_entry_jumppad:
0x0: {  	(pc) =	sbr.rel $0x88, $3  }
0x1: {  	(tag) =	ssettag $0x0;
	lr =	simm.s32 $0x1  }
0x2: {  	[smem:$0x3F9E] =	sst lr;
	_ =	strace $0xD0000000  }
0x3: {  	_ = 	snop  }
0x4: {  	_ = 	snop  }
0x5: {  	_ = 	snop  }
0x6: {  	_ = 	snop  }
0x7: {  	_ = 	snop  }
__scs_overlays_trampoline_lowered:
0x8: {  	[smem:$0x3FAD] =	sst s0  }
0x9: {  	[smem:$0x3FAE] =	sst s1  }
0xa: {  	[smem:$0x3FAF] =	sst s2  }
0xb: {  	[smem:$0x3FB0] =	sst s3  }
0xc: {  	[smem:$0x3FB1] =	sst s4  }
0xd: {  	[smem:$0x3FB2] =	sst s5  }
0xe: {  	[smem:$0x3FB3] =	sst s6  }
0xf: {  	[smem:$0x3FB4] =	sst s7  }
0x10: {  	[smem:$0x3FB5] =	sst s8  }
0x11: {  	[smem:$0x3FB6] =	sst s9;
	s0 =	simm.s32 @!p0 $0x0  }
0x12: {  	s1 =	sld [smem:$0x3F9C];
	s0 =	simm.s32 @p0 $0x1  }
0x13: {  	[smem:$0x3FB7] =	sst s0;
	s0 =	simm.s32 @!p1 $0x0  }
0x14: {  	s2 =	sld [smem:$0x3F9B];
	s0 =	simm.s32 @p1 $0x1  }
0x15: {  	[smem:$0x3FB8] =	sst s0;
	s0 =	simm.s32 @!p2 $0x0  }
0x16: {  	s3 =	sld [smem:$0x3FDB];
	s0 =	simm.s32 @p2 $0x1  }
0x17: {  	s4 =	simm.s32 $0x1BF5;
	[smem:$0x3FBA] =	sst s0  }
0x18: {  	s0 =	sld [smem:$0x3F9D];
	_ =	swait.ge [sflag:s4], $0x0  }
0x19: {  	s7 =	sld [smem:$0x3F9E]  }
0x1a: {  	s8 =	sadd.s32 $0xFFFFE003, lr  }
0x1b: {  	s9 =	sadd.s32 $0xFFFFFEF7, lr;
	s5 =	simm.s32 $0xFFFFFFFF;
	p2 =	slt.u32 s8, $0xFFFFF086  }
0x1c: {  	p1 =	slt.u32 s9, $0xF7A;
	s5 =	simm.s32 @!p2 $0x0  }
0x1d: {  	s5 =	simm.s32 @p1 $0x1;
	p0 =	seq.s32 s7, s2  }
0x1e: {  	s7 =	smul.u32 @!p0 $0xF7A, s2;
	p2 =	seq.s32 @!p0 s5, $0x0  }
0x1f: {  	s9 =	smul.u32 $0xF7A, s1;
	s8 =	simm.s32 @!p0 $0x1BF5;
	p2 =	por !p2, p0  }
0x20: {  	[sflag:s8] =	ssyncset.s32 @!p0 $0xFFFFF086;
	s6 =	sadd.s32 @!p0 s3, s7;
	s7 =	simm.s32 @!p0 $0x108  }
0x21: {  	s3 =	sadd.s32 s3, s9;
	s6 =	sadd.s32 @!p0 $0x88, s6;
	s7 =	simm.s32 @p2 $0x1082  }
0x22: {  	[simem:s7], [sflag:s8] =	dma.local @!p0 [hbm:s6], $0xF7A  }
0x23: {  	s9 =	sor.u32 $0xD0000000, s2;
	s6 =	simm.s32 $0x108;
	_ =	swait.ge @!p0 [sflag:s8], $0x0  }
0x24: {  	s3 =	sadd.s32 $0x88, s3;
	s6 =	simm.s32 @!p1 $0x1082;
	[sflag:s4] =	ssyncset.s32 $0xFFFFF086  }
0x25: {  	[simem:s6], [sflag:s4] =	dma.local [hbm:s3], $0xF7A  }
0x26: {  	[smem:$0x3F9E] =	sst s1;
	(tag) =	ssettag s2;
	_ =	strace s9  }
0x27: {  	s1 =	sld [smem:$0x3FAE]  }
0x28: {  	s2 =	sld [smem:$0x3FAF]  }
0x29: {  	s4 =	sld [smem:$0x3FB1]  }
0x2a: {  	p0 =	seq.s32 s5, $0x0;
	s5 =	sld [smem:$0x3FB2]  }
0x2b: {  	s6 =	sld [smem:$0x3FB3]  }
0x2c: {  	s7 =	sld [smem:$0x3FB4]  }
0x2d: {  	s3 =	simm.s32 $0x108;
	s8 =	sld [smem:$0x3FB5]  }
0x2e: {  	s3 =	simm.s32 @!p0 $0x1082;
	s9 =	sld [smem:$0x3FB6]  }
0x2f: {  	lr =	sadd.s32 s0, s3;
	s0 =	sld [smem:$0x3FAD]  }
0x30: {  	s3 =	sld [smem:$0x3FB0]  }
0x31: {  	[smem:$0x3FB9] =	sst s10  }
0x32: {  	s10 =	sld [smem:$0x3FB7];
	_ =	sdelay $0x3  }
0x33: {  	p0 =	seq.s32 s10, $0x1;
	s10 =	sld [smem:$0x3FB9];
	_ =	sdelay $0x3  }
0x34: {  	[smem:$0x3FB9] =	sst s10  }
0x35: {  	s10 =	sld [smem:$0x3FB8];
	_ =	sdelay $0x3  }
0x36: {  	p1 =	seq.s32 s10, $0x1;
	s10 =	sld [smem:$0x3FB9];
	_ =	sdelay $0x3  }
0x37: {  	[smem:$0x3FB9] =	sst s10  }
0x38: {  	s10 =	sld [smem:$0x3FBA]  }
0x39: {  	_ = 	snop;
	(pc) =	sbr.ind lr, $3  }
0x3a: {  	_ = 	snop  }
0x3b: {  	_ = 	snop  }
0x3c: {  	p2 =	seq.s32 s10, $0x1;
	s10 =	sld [smem:$0x3FB9]  }
0x3d: {  	_ =	shalt  }
0x3e: {  	_ =	shalt  }
0x3f: {  	_ =	shalt  }
0x40: {  	_ =	shalt  }
0x41: {  	_ =	shalt  }
0x42: {  	_ =	shalt  }
0x43: {  	_ =	shalt  }
0x44: {  	_ =	shalt  }
0x45: {  	_ =	shalt  }
0x46: {  	_ =	shalt  }
0x47: {  	_ =	shalt  }
0x48: {  	_ =	shalt  }
0x49: {  	_ =	shalt  }
0x4a: {  	_ =	shalt  }
0x4b: {  	_ =	shalt  }
0x4c: {  	_ =	shalt  }
0x4d: {  	_ =	shalt  }
0x4e: {  	_ =	shalt  }
0x4f: {  	_ =	shalt  }
0x50: {  	_ =	shalt  }
0x51: {  	_ =	shalt  }
0x52: {  	_ =	shalt  }
0x53: {  	_ =	shalt  }
0x54: {  	_ =	shalt  }
0x55: {  	_ =	shalt  }
0x56: {  	_ =	shalt  }
0x57: {  	_ =	shalt  }
0x58: {  	_ =	shalt  }
0x59: {  	_ =	shalt  }
0x5a: {  	_ =	shalt  }
0x5b: {  	_ =	shalt  }
0x5c: {  	_ =	shalt  }
0x5d: {  	_ =	shalt  }
0x5e: {  	_ =	shalt  }
0x5f: {  	_ =	shalt  }
0x60: {  	_ =	shalt  }
0x61: {  	_ =	shalt  }
0x62: {  	_ =	shalt  }
0x63: {  	_ =	shalt  }
0x64: {  	_ =	shalt  }
0x65: {  	_ =	shalt  }
0x66: {  	_ =	shalt  }
0x67: {  	_ =	shalt  }
0x68: {  	_ =	shalt  }
0x69: {  	_ =	shalt  }
0x6a: {  	_ =	shalt  }
0x6b: {  	_ =	shalt  }
0x6c: {  	_ =	shalt  }
0x6d: {  	_ =	shalt  }
0x6e: {  	_ =	shalt  }
0x6f: {  	_ =	shalt  }
0x70: {  	_ =	shalt  }
0x71: {  	_ =	shalt  }
0x72: {  	_ =	shalt  }
0x73: {  	_ =	shalt  }
0x74: {  	_ =	shalt  }
0x75: {  	_ =	shalt  }
0x76: {  	_ =	shalt  }
0x77: {  	_ =	shalt  }
0x78: {  	_ =	shalt  }
0x79: {  	_ =	shalt  }
0x7a: {  	_ =	shalt  }
0x7b: {  	_ =	shalt  }
0x7c: {  	_ =	shalt  }
0x7d: {  	_ =	shalt  }
0x7e: {  	_ =	shalt  }
0x7f: {  	_ =	shalt  }
0x80: {  	_ =	shalt  }
0x81: {  	_ =	shalt  }
0x82: {  	_ =	shalt  }
0x83: {  	_ =	shalt  }
0x84: {  	_ =	shalt  }
0x85: {  	_ =	shalt  }
0x86: {  	_ =	shalt  }
0x87: {  	_ =	shalt  }
.Lfunc_end0:
.L_simem_size_0:
called_computation.1_lowered:
.L_overlay_start_0:
0x88: {  	s2 =	sld [smem:$0x3FD9]  }
0x89: {  	s3 =	sld [smem:$0x3FFE];
	_ =	sdelay $0x1  }
0x8a: {  	s1 =	srdreg.scid  }
0x8b: {  	s0 =	sand.u32 $0x1, s1  }
0x8c: {  	s17 =	sshll.u32 s0, $0xA;
	s2 =	sadd.s32 s3, s2  }
0x8d: {  	s2 =	sadd.s32 s2, s17  }
0x8e: {  	[smem:$0x3FC5] =	sst s2  }
0x8f: {  	_ = 	snop  }
0x90: {  	s18 =	sld [smem:$0x3FD0];
	(tm) =	ssettm $0x1  }
0x91: {  	s19 =	sld [smem:$0x3FFB];
	_ =	sdelay $0x3  }
0x92: {  	_ =	strace s19  }
0x93: {  	s2 =	sld [smem:$0x3FFC];
	_ =	sdelay $0x3  }
0x94: {  	_ =	strace s2  }
0x95: {  	s2 =	sld [smem:$0x3FFD];
	_ =	sdelay $0x3  }
0x96: {  	_ =	strace s2  }
0x97: {  	_ =	strace $0x8FFFFFFF  }
0x98: {  	s20 =	sld [smem:$0x3FDB];
	_ =	sdelay $0x1  }
0x99: {  	s4 =	simm.s32 $_scs_section_size  }
0x9a: {  	s5 =	simm.s32 $_size__tile_overlayer_lowered;
	s6 =	simm.s32 $_tile_overlayer_lowered  }
0x9b: {  	s7 =	simm.s32 $0x1BFF;
	s21 =	sshll.u32 s6, $0x1;
	s4 =	sadd.s32 s4, s20  }
0x9c: {  	s22 =	simm.s32 $0x0;
	s5 =	sshll.u32 s5, $0x1;
	s6 =	sadd.s32 s21, s4  }
0x9d: {  	[timem:s22], [sflag:s7] =	dma.local [hbm:s6], s5  }
0x9e: {  	_ =	swait.ge [sflag:s7], s5  }
0x9f: {  	s5 =	ssub.s32 $0x0, s5;
	[sflag:s7] =	ssyncset.done $0x0  }
0xa0: {  	[sflag:s7] =	ssyncadd.s32 s5;
	_ =	sdelay $0x1  }
0xa1: {  	s23 =	simm.s32 $0x1B8B  }
0xa2: {  	_ =	swait.ge [sflag:s23], $0x1  }
0xa3: {  	[sflag:s23] =	ssyncset.done $0x0  }
0xa4: {  	[sflag:s23] =	ssyncadd.s32 $0xFFFFFFFF  }
0xa5: {  	s5 =	sld [smem:$0x0]  }
0xa6: {  	s6 =	sand.u32 $0xFFFFFFFE, s1  }
0xa7: {  	p0 =	sne.s32 s1, s6  }
0xa8: {  	s6 =	sshll.u32 @p0 s6, $0xE  }
0xa9: {  	s6 =	sadd.s32 @p0 $0x11B8D, s6;
	s7 =	sshll.u32 @p0 s5, $0x11  }
0xaa: {  	s6 =	sor.u32 @p0 s7, s6  }
0xab: {  	[sflag:s6] =	ssyncadd.remote.s32 @p0 $0x1;
	_ =	sdelay $0x1  }
0xac: {  	s6 =	simm.s32 @p0 $0x1B8D  }
0xad: {  	_ =	swait.eq @p0 [sflag:s6], $0x1  }
0xae: {  	[sflag:s6] =	ssyncadd.s32 @p0 $0xFFFFFFFF  }
0xaf: {  	s7 =	sshll.u32 @!p0 s1, $0xE  }
0xb0: {  	s7 =	sor.u32 @!p0 $0x4000, s7;
	s6 =	simm.s32 @!p0 $0x1B8D  }
0xb1: {  	s5 =	sshll.u32 @!p0 s5, $0x11;
	s7 =	sadd.s32 @!p0 $0x11B8D, s7;
	_ =	swait.eq @!p0 [sflag:s6], $0x1  }
0xb2: {  	s5 =	sor.u32 @!p0 s5, s7;
	[sflag:s6] =	ssyncadd.s32 @!p0 $0xFFFFFFFF  }
0xb3: {  	s25 =	simm.s32 $0x1B8E;
	s24 =	sld [smem:$0x3FFE];
	[sflag:s5] =	ssyncadd.remote.s32 @!p0 $0x1  }
0xb4: {  	s26 =	simm.s32 $execute0_lowered;
	[smem:$0x3FD2] =	sst s25  }
0xb5: {  	s6 =	sshll.u32 s26, $0x1;
	_ =	strace $0x80000049;
	[dreg:$0x1] =	wrdreg $0xFFFFFFFF  }
0xb6: {  	s28 =	simm.s32 $_size_execute0_lowered;
	s4 =	sadd.s32 s4, s6;
	[dreg:$0x0] =	wrdreg $0x0  }
0xb7: {  	s6 =	sshll.u32 s28, $0x1;
	[dreg:$0x2] =	wrdreg s4  }
0xb8: {  	[dreg:$0x3] =	wrdreg s6  }
0xb9: {  	[dreg:$0x4] =	wrdreg $0xC0  }
0xba: {  	_ =	task [dreg:s22], $0x5FFFF  }
0xbb: {  	[dreg:$0x1] =	wrdreg $0xFFFFFFFF  }
0xbc: {  	[dreg:$0x0] =	wrdreg $0x60  }
0xbd: {  	[dreg:$0x2] =	wrdreg s24  }
0xbe: {  	[dreg:$0x3] =	wrdreg s18  }
0xbf: {  	[dreg:$0x4] =	wrdreg $0xA  }
0xc0: {  	_ =	task.clear_ibuf [dreg:s22], $0x5FFFF;
	_ =	strace $0x90000049  }
0xc1: {  	s29 =	simm.s32 $0xA;
	_ =	strace $0x8000004B  }
0xc2: {  	_ =	swait.ge [sflag:s29], $0x1  }
0xc3: {  	[sflag:s29] =	ssyncadd.s32 $0xFFFFFFFF  }
0xc4: {  	_ =	strace $0x9000004B  }
0xc5: {  	_ =	sfence  }
0xc6: {  	s30 =	sld [smem:$0x0];
	_ =	sdelay $0x2  }
0xc7: {  	s31 =	sshll.u32 s1, $0xD;
	s1 =	sshrl.u32 s1, $0x2  }
0xc8: {  	s4 =	sand.u32 $0x4000, s31;
	s1 =	sadd.s32 s1, s30  }
0xc9: {  	s0 =	sor.u32 s4, s0;
	s1 =	sshll.u32 s1, $0x11  }
0xca: {  	s0 =	sor.u32 s1, s0  }
0xcb: {  	s0 =	sadd.s32 $0x8F2B, s0  }
0xcc: {  	[sflag:s0] =	ssyncadd.remote.s32 $0x1  }
0xcd: {  	_ =	sfence.sel $0xFFFF  }
0xce: {  	[dreg:$0x0] =	wrdreg $0xFFFFFFFF;
	(pc) =	sbr.abs _section_cstart, $3  }
0xcf: {  	[dreg:$0x1] =	wrdreg $0xFFFFFFFF  }
0xd0: {  	_ =	task.clear_ibuf [dreg:s22], $0x2FFFF;
	_ =	strace $0x9FFFFFFF  }
0xd1: {  	(tm) =	ssettm $0x7FFFFFFF  }
tec
execute0_lowered:
.L_overlay_start_1:
0x0: {  	(tag) =	ssettag $0x1  }
0x1: {  	s0 =	srdreg.scid  }
0x2: {  	s1 =	sshll.u32 s0, $0x4  }
0x3: {  	s0 =	stileid.u32;
	s1 =	sand.u32 $0x10, s1  }
0x4: {  	s2 =	sor.u32 s0, s1  }
0x5: {  	s1 =	smin.u32 s2, $0x12  }
0x6: {  	s1 =	sadd.s32 s2, s1  }
0x7: {  	p0 =	slt.u32 s2, $0x12;
	s2 =	simm.s32 $0xA0;
	s1 =	smul.u32 $0x50, s1  }
0x8: {  	s2 =	simm.s32 @!p0 $0x50  }
0x9: {  	s2 =	sadd.s32 s2, s1  }
0xa: {  	s3 =	smin.u32 s2, $0xFA0  }
0xb: {  	s7 =	ssub.s32 s3, s1  }
0xc: {  	p0 =	sgt.s32 s7, $0x0  }
0xd: {  	s7 =	simm.s32 @!p0 $0x0  }
0xe: {  	s9 =	rddreg [dreg:$0x0];
	s31 =	smul.u32 $0xCCCD, s7  }
0xf: {  	s4 =	rddreg [dreg:$0x1];
	s6 =	simm.s32 $0x1  }
0x10: {  	s11 =	simm.s32 $0x3;
	s13 =	simm.s32 $0x0;
	s8 =	sshrl.u32 s31, $0x16  }
0x11: {  	s12 =	simm.s32 $0x0;
	s5 =	sadd.s32 $0x6FA00, s9;
	s10 =	smul.u32 $0x50, s8  }
.Ltmp0:
0x12: {  	s9 =	sadd.s32 $0xCFA00, s9;
	s2 =	rddreg [dreg:$0x2];
	(pc) =	sbr.rel .LBB2_1-.Ltmp0, $4  }
0x13: {  	_ =	strace $0x8000004A;
	p0 =	sne.s32 s7, s10;
	s10 =	simm.s32 $0x1  }
0x14: {  	[sflag:s6] =	ssyncpa.u1 $0x0;
	s7 =	simm.s32 $0x2;
	s10 =	simm.s32 @!p0 $0x0  }
0x15: {  	[sflag:s7] =	ssyncpa.u1 $0x0;
	p0 =	por $0x0, $0x0;
	s8 =	sadd.s32 s8, s10  }
0x16: {  	v0 =	vimm.s32 $0x0;
	vm0 =	vmmov $0xff;
	vm1 =	vcmask $0x3F20;
	[sflag:s11] =	ssyncpa.u1 $0x0;
	s11 =	smov.u32 s1;
	s10 =	sadd.s32 $0x1, s8  }
.LBB2_6:
0x17: {  	[hbm:s17] =	stream.linear.scatter [tilespmem:s14], [sflag:$0x3], $0x400, $0x38;
	[tilespmem:$0x50A0] =	vst v63  }
.LBB2_7:
0x18: {  	s13 =	sadd.s32 $0x50, s11  }
0x19: {  	s15 =	smov.u32 s1;
	p2 =	slt.s32 s13, s3  }
0x1a: {  	s15 =	smov.u32 @p2 s13;
	p2 =	sne.s32 s12, s10  }
.Ltmp1:
0x1b: {  	p1 =	slt.u32 s12, $0x2;
	(pc) =	sbr.rel @!p2 .LBB2_8-.Ltmp1, $4  }
0x1c: {  	s14 =	simm.s32 @!p1 $0x3  }
0x1d: {  	s16 =	sadd.s32 $0x1, s12;
	_ =	swait.ge @!p1 [sflag:s14], $0x2800  }
0x1e: {  	p0 =	por !p0, !p0;
	s13 =	smov.u32 s11;
	[sflag:s14] =	ssyncset.done @!p1 $0x0  }
0x1f: {  	s12 =	smov.u32 s16;
	s11 =	smov.u32 s15;
	[sflag:s14] =	ssyncadd.s32 @!p1 $0xFFFFD800  }
.LBB2_1:
0x20: {  	p1 =	sge.u32 s12, s8  }
0x21: {  	s14 =	sxor.u32 @!p1 $0xFFFFFFFF, s12  }
0x22: {  	s14 =	sand.u32 @!p1 $0x1, s14  }
0x23: {  	s14 =	smul.u32 @!p1 $0x140, s14  }
0x24: {  	s31 =	sadd.s32 $0xFFFFFFFF, s12;
	s15 =	sshrl.u32 @!p1 s11, $0x3  }
0x25: {  	s16 =	sand.u32 @!p1 $0x7, s11;
	s15 =	sadd.s32 @!p1 s4, s15;
	s14 =	sshrl.u32 @!p1 s14, $0x2  }
0x26: {  	[tilespmem:s14], [sflag:$0x2] =	stream.linear.gather @!p1 [hbm4b:s15+s16], $0x50, $0x38;
	[tilespmem:$0x50A0] =	vst v63  }
0x27: {  	p1 =	sge.u32 s31, s8  }
.Ltmp2:
0x28: {  	_ = 	snop;
	(pc) =	sbr.rel @p1 .LBB2_7-.Ltmp2, $1  }
0x29: {  	_ =	sdelay $0x3  }
0x2a: {  	s14 =	simm.s32 $0x1  }
0x2b: {  	s14 =	simm.s32 @!p0 $0x0  }
0x2c: {  	s15 =	smul.u32 $0x140, s14  }
0x2d: {  	_ =	swait.ge [sflag:s7], $0x50  }
0x2e: {  	[sflag:s7] =	ssyncset.done $0x0;
	s16 =	sshrl.u32 s15, $0x2  }
0x2f: {  	[sflag:s7] =	ssyncadd.s32 $0xFFFFFFB0;
	s15 =	sadd.s32 $0x0, s16  }
0x30: {  	v1 =	vld.msk [tilespmem:s15+$0x0 ss:$0x1], $0xffff;
	_ =	sdelay $0x4  }
0x31: {  	v2 =	vand.u32 $0x1, v1;
	v3 =	vshll.u32 v1, $0x6  }
0x32: {  	vm2 =	veq.s32 v1, $0x80000000;
	vm3 =	veq.s32 v2, $0x1;
	v1 =	vand.u32 $0x1FFF80, v3  }
0x33: {  	v2 =	vsel vm3, $0x180000, v0;
	v1 =	vsel vm2, $0xFFFFFF80, v1  }
0x34: {  	v2 =	vsel vm2, $0xFFE80000, v2;
	v3 =	vand.u32 $0xFFFFFC00, v1  }
0x35: {  	v1 =	vand.u32 $0x380, v1;
	v2 =	vadd.s32 v2, v3  }
0x36: {  	v1 =	vor.u32 v1, v2  }
0x37: {  	v1 =	vshrl.u32 v1, $0x3  }
0x38: {  	s14 =	smul.u32 $0xA000, s14;
	_ =	sdelay $0x1  }
0x39: {  	s14 =	sshrl.u32 s14, $0x2  }
0x3a: {  	s14 =	sor.u32 $0xA0, s14  }
0x3b: {  	[tilespmem:s14], [sflag:$0x1] =	stream.indirect_vreg.gather [hbm:s5], $0x80, v1, vm0, $0x38;
	[tilespmem:$0x50A0] =	vst v63  }
0x3c: {  	s17 =	sadd.s32 $0x10, s16;
	s15 =	sadd.s32 $0x400, s14  }
0x3d: {  	[tilespmem:s15], [sflag:$0x1] =	stream.indirect_vreg.gather [hbm:s5], $0x80, v1, vm1, $0x38;
	[tilespmem:$0x50A0] =	vst v63  }
0x3e: {  	s18 =	simm.s32 $0x80;
	v1 =	vld.msk [tilespmem:s17+$0x0 ss:$0x1], $0xffff;
	s17 =	smov.u32 s14  }
.LBB2_3:
0x3f: {  	p1 =	sne.s32 s18, $0x100;
	_ =	sdelay $0x4  }
0x40: {  	v2 =	vand.u32 $0x1, v1;
	v3 =	vshll.u32 v1, $0x6  }
0x41: {  	vm2 =	veq.s32 v1, $0x80000000;
	vm3 =	veq.s32 v2, $0x1;
	v1 =	vand.u32 $0x1FFF80, v3  }
0x42: {  	v2 =	vsel vm3, $0x180000, v0;
	v1 =	vsel vm2, $0xFFFFFF80, v1  }
0x43: {  	v2 =	vsel vm2, $0xFFE80000, v2;
	v3 =	vand.u32 $0xFFFFFC00, v1  }
0x44: {  	v1 =	vand.u32 $0x380, v1;
	v2 =	vadd.s32 v2, v3  }
0x45: {  	v1 =	vor.u32 v1, v2  }
0x46: {  	v1 =	vshrl.u32 v1, $0x3;
	_ =	sdelay $0x3  }
.Ltmp3:
0x47: {  	s19 =	sshra.s32 s18, $0x2;
	s17 =	sadd.s32 $0x800, s17;
	(pc) =	sbr.rel @p1 .LBB2_3-.Ltmp3, $4  }
0x48: {  	[tilespmem:s17], [sflag:$0x1] =	stream.indirect_vreg.gather [hbm:s5], $0x80, v1, vm0, $0x38;
	[tilespmem:$0x50A0] =	vst v63  }
0x49: {  	s19 =	sadd.s32 s19, s16;
	s20 =	sadd.s32 $0x400, s17  }
0x4a: {  	[tilespmem:s20], [sflag:$0x1] =	stream.indirect_vreg.gather [hbm:s5], $0x80, v1, vm1, $0x38;
	[tilespmem:$0x50A0] =	vst v63  }
0x4b: {  	s18 =	sadd.s32 $0x40, s18;
	v1 =	vld.msk [tilespmem:s19+$0x0 ss:$0x1], $0xffff  }
0x4c: {  	_ =	sdelay $0x3  }
0x4d: {  	v2 =	vand.u32 $0x1, v1;
	v3 =	vshll.u32 v1, $0x6  }
0x4e: {  	vm2 =	veq.s32 v1, $0x80000000;
	vm3 =	veq.s32 v2, $0x1;
	v1 =	vand.u32 $0x1FFF80, v3  }
0x4f: {  	v2 =	vsel vm3, $0x180000, v0;
	v1 =	vsel vm2, $0xFFFFFF80, v1  }
0x50: {  	v2 =	vsel vm2, $0xFFE80000, v2;
	v3 =	vand.u32 $0xFFFFFC00, v1  }
0x51: {  	v1 =	vand.u32 $0x380, v1;
	v2 =	vadd.s32 v2, v3  }
0x52: {  	v1 =	vor.u32 v1, v2  }
0x53: {  	v1 =	vshrl.u32 v1, $0x3;
	_ =	sdelay $0x3  }
0x54: {  	s16 =	sadd.s32 $0x800, s17  }
0x55: {  	[tilespmem:s16], [sflag:$0x1] =	stream.indirect_vreg.gather [hbm:s5], $0x80, v1, vm0, $0x38;
	[tilespmem:$0x50A0] =	vst v63  }
0x56: {  	s16 =	sadd.s32 $0x400, s16  }
0x57: {  	[tilespmem:s16], [sflag:$0x1] =	stream.indirect_vreg.gather [hbm:s5], $0x80, v1, vm1, $0x38;
	[tilespmem:$0x50A0] =	vst v63  }
0x58: {  	s13 =	sshll.u32 s13, $0x4;
	_ =	swait.ge [sflag:s6], $0x2800  }
0x59: {  	s13 =	sadd.s32 s13, s9;
	[sflag:s6] =	ssyncset.done $0x0  }
0x5a: {  	s17 =	sadd.s32 $0x0, s13;
	s16 =	simm.s32 $0x80;
	[sflag:s6] =	ssyncadd.s32 $0xFFFFD800  }
.LBB2_5:
0x5b: {  	[hbm:s17] =	stream.linear.scatter [tilespmem:s14], [sflag:$0x3], $0x400, $0x38;
	[tilespmem:$0x50A0] =	vst v63  }
0x5c: {  	s17 =	smov.u32 s16;
	s14 =	smov.u32 s15;
	p1 =	sne.s32 s16, $0x480  }
.Ltmp4:
0x5d: {  	s16 =	sadd.s32 $0x80, s16;
	(pc) =	sbr.rel @p1 .LBB2_5-.Ltmp4, $2  }
0x5e: {  	_ =	sdelay $0x2  }
0x5f: {  	s15 =	sadd.s32 $0x400, s15;
	s17 =	sadd.s32 s17, s13  }
.Ltmp5:
0x60: {  	_ = 	snop;
	(pc) =	sbr.rel .LBB2_6-.Ltmp5, $1  }
0x61: {  	_ =	sdelay $0x3  }
.LBB2_8:
0x62: {  	_ =	sfence.sel $0x180000  }
0x63: {  	s1 =	simm.s32 $0x2;
	[bflag:$0x0] =	sbarrier.arrive $0xFFFF  }
0x64: {  	s30 =	simm.s32 $0x3;
	[sflag:s1] =	ssyncpa.u1 $0x1  }
0x65: {  	s31 =	simm.s32 $0x1;
	[sflag:s30] =	ssyncpa.u1 $0x1  }
0x66: {  	[sflag:s31] =	ssyncpa.u1 $0x1  }
0x67: {  	p0 =	sne.s32 s0, $0x0;
	_ =	strace $0x9000004A  }
0x68: {  	s0 =	sadd.s32 @!p0 $0x100000, s2;
	[bflag:$0x2] =	sbarrier.arrive $0xFFFF  }
0x69: {  	[sflag:s0] =	ssyncadd.tile.s32 @!p0 $0x1;
	_ =	shalt  }
.Lfunc_end2:
_tile_overlayer_lowered:
.L_overlay_start_2:
0x6a: {  	(tag) =	ssettag $0x2  }
0x6b: {  	s0 =	rddreg [dreg:$0x0];
	s2 =	stileid.u32  }
0x6c: {  	s1 =	rddreg [dreg:$0x1];
	p0 =	sne.s32 s2, $0x0  }
0x6d: {  	s3 =	rddreg [dreg:$0x2];
	[bflag:$0x3] =	sbarrier.arrive $0xFFFF;
	s2 =	simm.s32 @!p0 $0x1C01  }
0x6e: {  	[timem:s3], [sflag:s2] =	dma.local @!p0 [hbm:s0], s1  }
0x6f: {  	s0 =	simm.s32 @!p0 $0x1  }
0x70: {  	_ =	swait.ge @!p0 [sflag:s0], s1  }
0x71: {  	s1 =	ssub.s32 @!p0 $0x0, s1;
	[sflag:s0] =	ssyncset.done @!p0 $0x0  }
0x72: {  	[sflag:s0] =	ssyncadd.s32 @!p0 s1  }
0x73: {  	[bflag:$0x3] =	sbarrier.arrive $0xFFFF  }
0x74: {  	_ =	shalt  }

// kernel: gather_offload_async_start
scs
__scs_entry_jumppad:
0x0: {  	(pc) =	sbr.rel $0x88, $3  }
0x1: {  	(tag) =	ssettag $0x0;
	lr =	simm.s32 $0x1  }
0x2: {  	[smem:$0x3F9E] =	sst lr;
	_ =	strace $0xD0000000  }
0x3: {  	_ = 	snop  }
0x4: {  	_ = 	snop  }
0x5: {  	_ = 	snop  }
0x6: {  	_ = 	snop  }
0x7: {  	_ = 	snop  }
__scs_overlays_trampoline_lowered:
0x8: {  	[smem:$0x3FAD] =	sst s0  }
0x9: {  	[smem:$0x3FAE] =	sst s1  }
0xa: {  	[smem:$0x3FAF] =	sst s2  }
0xb: {  	[smem:$0x3FB0] =	sst s3  }
0xc: {  	[smem:$0x3FB1] =	sst s4  }
0xd: {  	[smem:$0x3FB2] =	sst s5  }
0xe: {  	[smem:$0x3FB3] =	sst s6  }
0xf: {  	[smem:$0x3FB4] =	sst s7  }
0x10: {  	[smem:$0x3FB5] =	sst s8  }
0x11: {  	[smem:$0x3FB6] =	sst s9;
	s0 =	simm.s32 @!p0 $0x0  }
0x12: {  	s1 =	sld [smem:$0x3F9C];
	s0 =	simm.s32 @p0 $0x1  }
0x13: {  	[smem:$0x3FB7] =	sst s0;
	s0 =	simm.s32 @!p1 $0x0  }
0x14: {  	s2 =	sld [smem:$0x3F9B];
	s0 =	simm.s32 @p1 $0x1  }
0x15: {  	[smem:$0x3FB8] =	sst s0;
	s0 =	simm.s32 @!p2 $0x0  }
0x16: {  	s3 =	sld [smem:$0x3FDB];
	s0 =	simm.s32 @p2 $0x1  }
0x17: {  	s4 =	simm.s32 $0x1BF5;
	[smem:$0x3FBA] =	sst s0  }
0x18: {  	s0 =	sld [smem:$0x3F9D];
	_ =	swait.ge [sflag:s4], $0x0  }
0x19: {  	s7 =	sld [smem:$0x3F9E]  }
0x1a: {  	s8 =	sadd.s32 $0xFFFFE003, lr  }
0x1b: {  	s9 =	sadd.s32 $0xFFFFFEF7, lr;
	s5 =	simm.s32 $0xFFFFFFFF;
	p2 =	slt.u32 s8, $0xFFFFF086  }
0x1c: {  	p1 =	slt.u32 s9, $0xF7A;
	s5 =	simm.s32 @!p2 $0x0  }
0x1d: {  	s5 =	simm.s32 @p1 $0x1;
	p0 =	seq.s32 s7, s2  }
0x1e: {  	s7 =	smul.u32 @!p0 $0xF7A, s2;
	p2 =	seq.s32 @!p0 s5, $0x0  }
0x1f: {  	s9 =	smul.u32 $0xF7A, s1;
	s8 =	simm.s32 @!p0 $0x1BF5;
	p2 =	por !p2, p0  }
0x20: {  	[sflag:s8] =	ssyncset.s32 @!p0 $0xFFFFF086;
	s6 =	sadd.s32 @!p0 s3, s7;
	s7 =	simm.s32 @!p0 $0x108  }
0x21: {  	s3 =	sadd.s32 s3, s9;
	s6 =	sadd.s32 @!p0 $0x88, s6;
	s7 =	simm.s32 @p2 $0x1082  }
0x22: {  	[simem:s7], [sflag:s8] =	dma.local @!p0 [hbm:s6], $0xF7A  }
0x23: {  	s9 =	sor.u32 $0xD0000000, s2;
	s6 =	simm.s32 $0x108;
	_ =	swait.ge @!p0 [sflag:s8], $0x0  }
0x24: {  	s3 =	sadd.s32 $0x88, s3;
	s6 =	simm.s32 @!p1 $0x1082;
	[sflag:s4] =	ssyncset.s32 $0xFFFFF086  }
0x25: {  	[simem:s6], [sflag:s4] =	dma.local [hbm:s3], $0xF7A  }
0x26: {  	[smem:$0x3F9E] =	sst s1;
	(tag) =	ssettag s2;
	_ =	strace s9  }
0x27: {  	s1 =	sld [smem:$0x3FAE]  }
0x28: {  	s2 =	sld [smem:$0x3FAF]  }
0x29: {  	s4 =	sld [smem:$0x3FB1]  }
0x2a: {  	p0 =	seq.s32 s5, $0x0;
	s5 =	sld [smem:$0x3FB2]  }
0x2b: {  	s6 =	sld [smem:$0x3FB3]  }
0x2c: {  	s7 =	sld [smem:$0x3FB4]  }
0x2d: {  	s3 =	simm.s32 $0x108;
	s8 =	sld [smem:$0x3FB5]  }
0x2e: {  	s3 =	simm.s32 @!p0 $0x1082;
	s9 =	sld [smem:$0x3FB6]  }
0x2f: {  	lr =	sadd.s32 s0, s3;
	s0 =	sld [smem:$0x3FAD]  }
0x30: {  	s3 =	sld [smem:$0x3FB0]  }
0x31: {  	[smem:$0x3FB9] =	sst s10  }
0x32: {  	s10 =	sld [smem:$0x3FB7];
	_ =	sdelay $0x3  }
0x33: {  	p0 =	seq.s32 s10, $0x1;
	s10 =	sld [smem:$0x3FB9];
	_ =	sdelay $0x3  }
0x34: {  	[smem:$0x3FB9] =	sst s10  }
0x35: {  	s10 =	sld [smem:$0x3FB8];
	_ =	sdelay $0x3  }
0x36: {  	p1 =	seq.s32 s10, $0x1;
	s10 =	sld [smem:$0x3FB9];
	_ =	sdelay $0x3  }
0x37: {  	[smem:$0x3FB9] =	sst s10  }
0x38: {  	s10 =	sld [smem:$0x3FBA]  }
0x39: {  	_ = 	snop;
	(pc) =	sbr.ind lr, $3  }
0x3a: {  	_ = 	snop  }
0x3b: {  	_ = 	snop  }
0x3c: {  	p2 =	seq.s32 s10, $0x1;
	s10 =	sld [smem:$0x3FB9]  }
0x3d: {  	_ =	shalt  }
0x3e: {  	_ =	shalt  }
0x3f: {  	_ =	shalt  }
0x40: {  	_ =	shalt  }
0x41: {  	_ =	shalt  }
0x42: {  	_ =	shalt  }
0x43: {  	_ =	shalt  }
0x44: {  	_ =	shalt  }
0x45: {  	_ =	shalt  }
0x46: {  	_ =	shalt  }
0x47: {  	_ =	shalt  }
0x48: {  	_ =	shalt  }
0x49: {  	_ =	shalt  }
0x4a: {  	_ =	shalt  }
0x4b: {  	_ =	shalt  }
0x4c: {  	_ =	shalt  }
0x4d: {  	_ =	shalt  }
0x4e: {  	_ =	shalt  }
0x4f: {  	_ =	shalt  }
0x50: {  	_ =	shalt  }
0x51: {  	_ =	shalt  }
0x52: {  	_ =	shalt  }
0x53: {  	_ =	shalt  }
0x54: {  	_ =	shalt  }
0x55: {  	_ =	shalt  }
0x56: {  	_ =	shalt  }
0x57: {  	_ =	shalt  }
0x58: {  	_ =	shalt  }
0x59: {  	_ =	shalt  }
0x5a: {  	_ =	shalt  }
0x5b: {  	_ =	shalt  }
0x5c: {  	_ =	shalt  }
0x5d: {  	_ =	shalt  }
0x5e: {  	_ =	shalt  }
0x5f: {  	_ =	shalt  }
0x60: {  	_ =	shalt  }
0x61: {  	_ =	shalt  }
0x62: {  	_ =	shalt  }
0x63: {  	_ =	shalt  }
0x64: {  	_ =	shalt  }
0x65: {  	_ =	shalt  }
0x66: {  	_ =	shalt  }
0x67: {  	_ =	shalt  }
0x68: {  	_ =	shalt  }
0x69: {  	_ =	shalt  }
0x6a: {  	_ =	shalt  }
0x6b: {  	_ =	shalt  }
0x6c: {  	_ =	shalt  }
0x6d: {  	_ =	shalt  }
0x6e: {  	_ =	shalt  }
0x6f: {  	_ =	shalt  }
0x70: {  	_ =	shalt  }
0x71: {  	_ =	shalt  }
0x72: {  	_ =	shalt  }
0x73: {  	_ =	shalt  }
0x74: {  	_ =	shalt  }
0x75: {  	_ =	shalt  }
0x76: {  	_ =	shalt  }
0x77: {  	_ =	shalt  }
0x78: {  	_ =	shalt  }
0x79: {  	_ =	shalt  }
0x7a: {  	_ =	shalt  }
0x7b: {  	_ =	shalt  }
0x7c: {  	_ =	shalt  }
0x7d: {  	_ =	shalt  }
0x7e: {  	_ =	shalt  }
0x7f: {  	_ =	shalt  }
0x80: {  	_ =	shalt  }
0x81: {  	_ =	shalt  }
0x82: {  	_ =	shalt  }
0x83: {  	_ =	shalt  }
0x84: {  	_ =	shalt  }
0x85: {  	_ =	shalt  }
0x86: {  	_ =	shalt  }
0x87: {  	_ =	shalt  }
.Lfunc_end0:
.L_simem_size_0:
called_computation_lowered:
.L_overlay_start_0:
0x88: {  	s2 =	sld [smem:$0x3FD9]  }
0x89: {  	s3 =	sld [smem:$0x3FFE];
	_ =	sdelay $0x1  }
0x8a: {  	s1 =	srdreg.scid  }
0x8b: {  	s0 =	sand.u32 $0x1, s1  }
0x8c: {  	s17 =	sshll.u32 s0, $0xA;
	s2 =	sadd.s32 s3, s2  }
0x8d: {  	s2 =	sadd.s32 s2, s17  }
0x8e: {  	[smem:$0x3FC5] =	sst s2  }
0x8f: {  	_ = 	snop  }
0x90: {  	s2 =	sld [smem:$0x3FD0];
	(tm) =	ssettm $0x1  }
0x91: {  	s18 =	sld [smem:$0x3FFB];
	_ =	sdelay $0x3  }
0x92: {  	_ =	strace s18  }
0x93: {  	s3 =	sld [smem:$0x3FFC];
	_ =	sdelay $0x3  }
0x94: {  	_ =	strace s3  }
0x95: {  	s3 =	sld [smem:$0x3FFD];
	_ =	sdelay $0x3  }
0x96: {  	_ =	strace s3  }
0x97: {  	_ =	strace $0x8FFFFFFF  }
0x98: {  	s19 =	sld [smem:$0x3FDB];
	_ =	sdelay $0x1  }
0x99: {  	s4 =	simm.s32 $_scs_section_size  }
0x9a: {  	s5 =	simm.s32 $_size__tile_overlayer_lowered;
	s6 =	simm.s32 $_tile_overlayer_lowered  }
0x9b: {  	s22 =	simm.s32 $0x1BFF;
	s21 =	sshll.u32 s6, $0x1;
	s3 =	sadd.s32 s4, s19  }
0x9c: {  	s7 =	simm.s32 $0x0;
	s20 =	sshll.u32 s5, $0x1;
	s5 =	sadd.s32 s21, s3  }
0x9d: {  	[timem:s7], [sflag:s22] =	dma.local [hbm:s5], s20  }
0x9e: {  	_ =	swait.ge [sflag:s22], s20  }
0x9f: {  	s4 =	ssub.s32 $0x0, s20;
	[sflag:s22] =	ssyncset.done $0x0  }
0xa0: {  	[sflag:s22] =	ssyncadd.s32 s4;
	_ =	sdelay $0x1  }
0xa1: {  	s23 =	simm.s32 $0x1B8B  }
0xa2: {  	_ =	swait.ge [sflag:s23], $0x1  }
0xa3: {  	[sflag:s23] =	ssyncset.done $0x0  }
0xa4: {  	s25 =	simm.s32 $0x1B8E;
	s24 =	sld [smem:$0x3FFE];
	[sflag:s23] =	ssyncadd.s32 $0xFFFFFFFF  }
0xa5: {  	s26 =	simm.s32 $execute0_lowered;
	[smem:$0x3FD2] =	sst s25  }
0xa6: {  	s5 =	sshll.u32 s26, $0x1;
	_ =	strace $0x80000046;
	[dreg:$0x1] =	wrdreg $0xFFFFFFFF  }
0xa7: {  	s28 =	simm.s32 $_size_execute0_lowered;
	s3 =	sadd.s32 s3, s5;
	[dreg:$0x0] =	wrdreg $0x0  }
0xa8: {  	s5 =	sshll.u32 s28, $0x1;
	[dreg:$0x2] =	wrdreg s3  }
0xa9: {  	[dreg:$0x3] =	wrdreg s5  }
0xaa: {  	[dreg:$0x4] =	wrdreg $0xC0  }
0xab: {  	_ =	task [dreg:s7], $0x5FFFF  }
0xac: {  	[dreg:$0x1] =	wrdreg $0xFFFFFFFF  }
0xad: {  	[dreg:$0x0] =	wrdreg $0x60  }
0xae: {  	[dreg:$0x2] =	wrdreg s24  }
0xaf: {  	[dreg:$0x3] =	wrdreg s2  }
0xb0: {  	[dreg:$0x4] =	wrdreg $0x9  }
0xb1: {  	_ =	task.clear_ibuf [dreg:s7], $0x5FFFF;
	_ =	strace $0x90000046  }
0xb2: {  	s29 =	simm.s32 $0x9;
	_ =	strace $0x80000048  }
0xb3: {  	_ =	swait.ge [sflag:s29], $0x1  }
0xb4: {  	[sflag:s29] =	ssyncadd.s32 $0xFFFFFFFF  }
0xb5: {  	_ =	strace $0x90000048  }
0xb6: {  	_ =	sfence  }
0xb7: {  	s30 =	sld [smem:$0x0];
	_ =	sdelay $0x2  }
0xb8: {  	s31 =	sshll.u32 s1, $0xD;
	s1 =	sshrl.u32 s1, $0x2  }
0xb9: {  	s3 =	sand.u32 $0x4000, s31;
	s1 =	sadd.s32 s1, s30  }
0xba: {  	s0 =	sor.u32 s3, s0;
	s1 =	sshll.u32 s1, $0x11  }
0xbb: {  	s0 =	sor.u32 s1, s0  }
0xbc: {  	s0 =	sadd.s32 $0x8F2B, s0  }
0xbd: {  	[sflag:s0] =	ssyncadd.remote.s32 $0x1  }
0xbe: {  	_ =	sfence.sel $0xFFFF  }
0xbf: {  	[dreg:$0x0] =	wrdreg $0xFFFFFFFF;
	(pc) =	sbr.abs _section_cstart, $3  }
0xc0: {  	[dreg:$0x1] =	wrdreg $0xFFFFFFFF  }
0xc1: {  	_ =	task.clear_ibuf [dreg:s7], $0x2FFFF;
	_ =	strace $0x9FFFFFFF  }
0xc2: {  	(tm) =	ssettm $0x7FFFFFFF  }
0xc3: {  	_ =	shalt  }
tec
execute0_lowered:
.L_overlay_start_1:
0x0: {  	(tag) =	ssettag $0x1  }
0x1: {  	s0 =	srdreg.scid  }
0x2: {  	s1 =	sshll.u32 s0, $0x4  }
0x3: {  	s0 =	stileid.u32;
	s1 =	sand.u32 $0x10, s1  }
0x4: {  	s2 =	sor.u32 s0, s1  }
0x5: {  	s1 =	smin.u32 s2, $0x12  }
0x6: {  	s1 =	sadd.s32 s2, s1  }
0x7: {  	p0 =	slt.u32 s2, $0x12;
	s2 =	simm.s32 $0xA0;
	s1 =	smul.u32 $0x50, s1  }
0x8: {  	s2 =	simm.s32 @!p0 $0x50  }
0x9: {  	s2 =	sadd.s32 s2, s1  }
0xa: {  	s3 =	smin.u32 s2, $0xFA0  }
0xb: {  	s7 =	ssub.s32 s3, s1  }
0xc: {  	p0 =	sgt.s32 s7, $0x0  }
0xd: {  	s7 =	simm.s32 @!p0 $0x0  }
0xe: {  	s4 =	rddreg [dreg:$0x0];
	s31 =	smul.u32 $0xCCCD, s7  }
0xf: {  	s5 =	rddreg [dreg:$0x1]  }
0x10: {  	s6 =	simm.s32 $0x1;
	s10 =	simm.s32 $0x3;
	s8 =	sshrl.u32 s31, $0x16  }
0x11: {  	s13 =	simm.s32 $0x0;
	s12 =	simm.s32 $0x0;
	s9 =	smul.u32 $0x50, s8  }
.Ltmp0:
0x12: {  	s11 =	smov.u32 s1;
	s2 =	rddreg [dreg:$0x2];
	(pc) =	sbr.rel .LBB2_1-.Ltmp0, $4  }
0x13: {  	_ =	strace $0x80000047;
	p0 =	sne.s32 s7, s9;
	s9 =	simm.s32 $0x1  }
0x14: {  	[sflag:s6] =	ssyncpa.u1 $0x0;
	s7 =	simm.s32 $0x2;
	s9 =	simm.s32 @!p0 $0x0  }
0x15: {  	[sflag:s7] =	ssyncpa.u1 $0x0;
	p0 =	por $0x0, $0x0;
	s8 =	sadd.s32 s8, s9  }
0x16: {  	v0 =	vimm.s32 $0x0;
	vm0 =	vmmov $0xff;
	vm1 =	vcmask $0x3F20;
	s9 =	sadd.s32 $0x60000, s4;
	[sflag:s10] =	ssyncpa.u1 $0x0;
	s10 =	sadd.s32 $0x1, s8  }
.LBB2_6:
0x17: {  	[hbm:s17] =	stream.linear.scatter [tilespmem:s14], [sflag:$0x3], $0x400, $0x38;
	[tilespmem:$0x50A0] =	vst v63  }
.LBB2_7:
0x18: {  	s13 =	sadd.s32 $0x50, s11  }
0x19: {  	s15 =	smov.u32 s1;
	p2 =	slt.s32 s13, s3  }
0x1a: {  	s15 =	smov.u32 @p2 s13;
	p2 =	sne.s32 s12, s10  }
.Ltmp1:
0x1b: {  	p1 =	slt.u32 s12, $0x2;
	(pc) =	sbr.rel @!p2 .LBB2_8-.Ltmp1, $4  }
0x1c: {  	s14 =	simm.s32 @!p1 $0x3  }
0x1d: {  	s16 =	sadd.s32 $0x1, s12;
	_ =	swait.ge @!p1 [sflag:s14], $0x2800  }
0x1e: {  	p0 =	por !p0, !p0;
	s13 =	smov.u32 s11;
	[sflag:s14] =	ssyncset.done @!p1 $0x0  }
0x1f: {  	s12 =	smov.u32 s16;
	s11 =	smov.u32 s15;
	[sflag:s14] =	ssyncadd.s32 @!p1 $0xFFFFD800  }
.LBB2_1:
0x20: {  	p1 =	sge.u32 s12, s8  }
0x21: {  	s14 =	sxor.u32 @!p1 $0xFFFFFFFF, s12  }
0x22: {  	s14 =	sand.u32 @!p1 $0x1, s14  }
0x23: {  	s14 =	smul.u32 @!p1 $0x140, s14  }
0x24: {  	s31 =	sadd.s32 $0xFFFFFFFF, s12;
	s15 =	sshrl.u32 @!p1 s11, $0x3  }
0x25: {  	s16 =	sand.u32 @!p1 $0x7, s11;
	s15 =	sadd.s32 @!p1 s5, s15;
	s14 =	sshrl.u32 @!p1 s14, $0x2  }
0x26: {  	[tilespmem:s14], [sflag:$0x2] =	stream.linear.gather @!p1 [hbm4b:s15+s16], $0x50, $0x38;
	[tilespmem:$0x50A0] =	vst v63  }
0x27: {  	p1 =	sge.u32 s31, s8  }
.Ltmp2:
0x28: {  	_ = 	snop;
	(pc) =	sbr.rel @p1 .LBB2_7-.Ltmp2, $1  }
0x29: {  	_ =	sdelay $0x3  }
0x2a: {  	s14 =	simm.s32 $0x1  }
0x2b: {  	s14 =	simm.s32 @!p0 $0x0  }
0x2c: {  	s15 =	smul.u32 $0x140, s14  }
0x2d: {  	_ =	swait.ge [sflag:s7], $0x50  }
0x2e: {  	[sflag:s7] =	ssyncset.done $0x0;
	s16 =	sshrl.u32 s15, $0x2  }
0x2f: {  	[sflag:s7] =	ssyncadd.s32 $0xFFFFFFB0;
	s15 =	sadd.s32 $0x0, s16  }
0x30: {  	v1 =	vld.msk [tilespmem:s15+$0x0 ss:$0x1], $0xffff;
	_ =	sdelay $0x4  }
0x31: {  	v2 =	vand.u32 $0x1, v1;
	v3 =	vshll.u32 v1, $0x6  }
0x32: {  	vm2 =	veq.s32 v1, $0x80000000;
	vm3 =	veq.s32 v2, $0x1;
	v1 =	vand.u32 $0x1FFF80, v3  }
0x33: {  	v2 =	vsel vm3, $0x180000, v0;
	v1 =	vsel vm2, $0xFFFFFF80, v1  }
0x34: {  	v2 =	vsel vm2, $0xFFE80000, v2;
	v3 =	vand.u32 $0xFFFFFC00, v1  }
0x35: {  	v1 =	vand.u32 $0x380, v1;
	v2 =	vadd.s32 v2, v3  }
0x36: {  	v1 =	vor.u32 v1, v2  }
0x37: {  	v1 =	vshrl.u32 v1, $0x3  }
0x38: {  	s14 =	smul.u32 $0xA000, s14;
	_ =	sdelay $0x1  }
0x39: {  	s14 =	sshrl.u32 s14, $0x2  }
0x3a: {  	s14 =	sor.u32 $0xA0, s14  }
0x3b: {  	[tilespmem:s14], [sflag:$0x1] =	stream.indirect_vreg.gather [hbm:s4], $0x80, v1, vm0, $0x38;
	[tilespmem:$0x50A0] =	vst v63  }
0x3c: {  	s17 =	sadd.s32 $0x10, s16;
	s15 =	sadd.s32 $0x400, s14  }
0x3d: {  	[tilespmem:s15], [sflag:$0x1] =	stream.indirect_vreg.gather [hbm:s4], $0x80, v1, vm1, $0x38;
	[tilespmem:$0x50A0] =	vst v63  }
0x3e: {  	s18 =	simm.s32 $0x80;
	v1 =	vld.msk [tilespmem:s17+$0x0 ss:$0x1], $0xffff;
	s17 =	smov.u32 s14  }
.LBB2_3:
0x3f: {  	p1 =	sne.s32 s18, $0x100;
	_ =	sdelay $0x4  }
0x40: {  	v2 =	vand.u32 $0x1, v1;
	v3 =	vshll.u32 v1, $0x6  }
0x41: {  	vm2 =	veq.s32 v1, $0x80000000;
	vm3 =	veq.s32 v2, $0x1;
	v1 =	vand.u32 $0x1FFF80, v3  }
0x42: {  	v2 =	vsel vm3, $0x180000, v0;
	v1 =	vsel vm2, $0xFFFFFF80, v1  }
0x43: {  	v2 =	vsel vm2, $0xFFE80000, v2;
	v3 =	vand.u32 $0xFFFFFC00, v1  }
0x44: {  	v1 =	vand.u32 $0x380, v1;
	v2 =	vadd.s32 v2, v3  }
0x45: {  	v1 =	vor.u32 v1, v2  }
0x46: {  	v1 =	vshrl.u32 v1, $0x3;
	_ =	sdelay $0x3  }
.Ltmp3:
0x47: {  	s19 =	sshra.s32 s18, $0x2;
	s17 =	sadd.s32 $0x800, s17;
	(pc) =	sbr.rel @p1 .LBB2_3-.Ltmp3, $4  }
0x48: {  	[tilespmem:s17], [sflag:$0x1] =	stream.indirect_vreg.gather [hbm:s4], $0x80, v1, vm0, $0x38;
	[tilespmem:$0x50A0] =	vst v63  }
0x49: {  	s19 =	sadd.s32 s19, s16;
	s20 =	sadd.s32 $0x400, s17  }
0x4a: {  	[tilespmem:s20], [sflag:$0x1] =	stream.indirect_vreg.gather [hbm:s4], $0x80, v1, vm1, $0x38;
	[tilespmem:$0x50A0] =	vst v63  }
0x4b: {  	s18 =	sadd.s32 $0x40, s18;
	v1 =	vld.msk [tilespmem:s19+$0x0 ss:$0x1], $0xffff  }
0x4c: {  	_ =	sdelay $0x3  }
0x4d: {  	v2 =	vand.u32 $0x1, v1;
	v3 =	vshll.u32 v1, $0x6  }
0x4e: {  	vm2 =	veq.s32 v1, $0x80000000;
	vm3 =	veq.s32 v2, $0x1;
	v1 =	vand.u32 $0x1FFF80, v3  }
0x4f: {  	v2 =	vsel vm3, $0x180000, v0;
	v1 =	vsel vm2, $0xFFFFFF80, v1  }
0x50: {  	v2 =	vsel vm2, $0xFFE80000, v2;
	v3 =	vand.u32 $0xFFFFFC00, v1  }
0x51: {  	v1 =	vand.u32 $0x380, v1;
	v2 =	vadd.s32 v2, v3  }
0x52: {  	v1 =	vor.u32 v1, v2  }
0x53: {  	v1 =	vshrl.u32 v1, $0x3;
	_ =	sdelay $0x3  }
0x54: {  	s16 =	sadd.s32 $0x800, s17  }
0x55: {  	[tilespmem:s16], [sflag:$0x1] =	stream.indirect_vreg.gather [hbm:s4], $0x80, v1, vm0, $0x38;
	[tilespmem:$0x50A0] =	vst v63  }
0x56: {  	s16 =	sadd.s32 $0x400, s16  }
0x57: {  	[tilespmem:s16], [sflag:$0x1] =	stream.indirect_vreg.gather [hbm:s4], $0x80, v1, vm1, $0x38;
	[tilespmem:$0x50A0] =	vst v63  }
0x58: {  	s13 =	sshll.u32 s13, $0x4;
	_ =	swait.ge [sflag:s6], $0x2800  }
0x59: {  	s13 =	sadd.s32 s13, s9;
	[sflag:s6] =	ssyncset.done $0x0  }
0x5a: {  	s17 =	sadd.s32 $0x0, s13;
	s16 =	simm.s32 $0x80;
	[sflag:s6] =	ssyncadd.s32 $0xFFFFD800  }
.LBB2_5:
0x5b: {  	[hbm:s17] =	stream.linear.scatter [tilespmem:s14], [sflag:$0x3], $0x400, $0x38;
	[tilespmem:$0x50A0] =	vst v63  }
0x5c: {  	s17 =	smov.u32 s16;
	s14 =	smov.u32 s15;
	p1 =	sne.s32 s16, $0x480  }
.Ltmp4:
0x5d: {  	s16 =	sadd.s32 $0x80, s16;
	(pc) =	sbr.rel @p1 .LBB2_5-.Ltmp4, $2  }
0x5e: {  	_ =	sdelay $0x2  }
0x5f: {  	s15 =	sadd.s32 $0x400, s15;
	s17 =	sadd.s32 s17, s13  }
.Ltmp5:
0x60: {  	_ = 	snop;
	(pc) =	sbr.rel .LBB2_6-.Ltmp5, $1  }
0x61: {  	_ =	sdelay $0x3  }
.LBB2_8:
0x62: {  	_ =	sfence.sel $0x180000  }
0x63: {  	s1 =	simm.s32 $0x2;
	[bflag:$0x0] =	sbarrier.arrive $0xFFFF  }
0x64: {  	s30 =	simm.s32 $0x3;
	[sflag:s1] =	ssyncpa.u1 $0x1  }
0x65: {  	s31 =	simm.s32 $0x1;
	[sflag:s30] =	ssyncpa.u1 $0x1  }
0x66: {  	[sflag:s31] =	ssyncpa.u1 $0x1  }
0x67: {  	p0 =	sne.s32 s0, $0x0;
	_ =	strace $0x90000047  }
0x68: {  	s0 =	sadd.s32 @!p0 $0x100000, s2;
	[bflag:$0x2] =	sbarrier.arrive $0xFFFF  }
0x69: {  	[sflag:s0] =	ssyncadd.tile.s32 @!p0 $0x1;
	_ =	shalt  }
.Lfunc_end2:
_tile_overlayer_lowered:
.L_overlay_start_2:
0x6a: {  	(tag) =	ssettag $0x2  }
0x6b: {  	s0 =	rddreg [dreg:$0x0];
	s2 =	stileid.u32  }
0x6c: {  	s1 =	rddreg [dreg:$0x1];
	p0 =	sne.s32 s2, $0x0  }
0x6d: {  	s3 =	rddreg [dreg:$0x2];
	[bflag:$0x3] =	sbarrier.arrive $0xFFFF;
	s2 =	simm.s32 @!p0 $0x1C01  }
0x6e: {  	[timem:s3], [sflag:s2] =	dma.local @!p0 [hbm:s0], s1  }
0x6f: {  	s0 =	simm.s32 @!p0 $0x1  }
0x70: {  	_ =	swait.ge @!p0 [sflag:s0], s1  }
0x71: {  	s1 =	ssub.s32 @!p0 $0x0, s1;
	[sflag:s0] =	ssyncset.done @!p0 $0x0  }
0x72: {  	[sflag:s0] =	ssyncadd.s32 @!p0 s1  }
0x73: {  	[bflag:$0x3] =	sbarrier.arrive $0xFFFF  }
0x74: {  	_ =	shalt  }

</sc_bundles>
